<compile_context>
chip_gen: v7x
topology: tpu7x:2x2x1
jax: 0.10.2.dev20260603
libtpu: 0.0.44.dev20260713+nightly
codegen_flags: <defaults>
</compile_context>

<pallas_src>
import functools

import jax
import jax.numpy as jnp
from jax import lax
from jax.experimental import pallas as pl
from jax.experimental.pallas import tpu as pltpu
from jax.experimental.pallas import tpu_sc as plsc

H = 1000
W = 1000
WP = 1024
BAND_ROWS = 64
N_BANDS = 16
BAND_WORDS = BAND_ROWS * WP
N_UPD = H * W
HALF = N_UPD // 2
CHUNK = 10000
N_CHUNK = HALF // CHUNK
VREGS_PER_CHUNK = CHUNK // 16
NEG = -9999.0
UNWRITTEN = -3.0e38
ROW_BLOCK = 8


def _conv_body(x_ref, ti_ref, w1, b1, w2, b2, w3, b3, w4, b4, val_ref,
               cell_ref):
    def layer(w, b, hs, act):
        out = []
        for h in hs:
            h = jnp.dot(w[...], h, preferred_element_type=jnp.float32)
            h = h + b[...]
            out.append(jnp.maximum(h, 0.0) if act else h)
        return out

    hs = [x_ref[0, :, s, :] for s in range(ROW_BLOCK)]
    hs = layer(w1, b1, hs, True)
    hs = layer(w2, b2, hs, True)
    hs = layer(w3, b3, hs, True)
    hs = layer(w4, b4, hs, False)
    for s in range(ROW_BLOCK):
        val_ref[pl.ds(s, 1), :] = hs[s]
    ti = ti_ref[...]
    cell_ref[...] = ti[0] * WP + ti[1]


_conv_call = pl.pallas_call(
    _conv_body,
    grid=(H // ROW_BLOCK,),
    in_specs=[
        pl.BlockSpec((1, 7, ROW_BLOCK, W), lambda i: (0, 0, i, 0)),
        pl.BlockSpec((2, ROW_BLOCK, W), lambda i: (0, i, 0)),
        pl.BlockSpec((18, 7), lambda i: (0, 0)),
        pl.BlockSpec((18, 1), lambda i: (0, 0)),
        pl.BlockSpec((36, 18), lambda i: (0, 0)),
        pl.BlockSpec((36, 1), lambda i: (0, 0)),
        pl.BlockSpec((36, 36), lambda i: (0, 0)),
        pl.BlockSpec((36, 1), lambda i: (0, 0)),
        pl.BlockSpec((1, 36), lambda i: (0, 0)),
        pl.BlockSpec((1, 1), lambda i: (0, 0)),
    ],
    out_specs=[
        pl.BlockSpec((ROW_BLOCK, W), lambda i: (i, 0)),
        pl.BlockSpec((ROW_BLOCK, W), lambda i: (i, 0)),
    ],
    out_shape=[
        jax.ShapeDtypeStruct((H, W), jnp.float32),
        jax.ShapeDtypeStruct((H, W), jnp.int32),
    ],
)


def _merge_body(b_ref, x1_ref, x2p_ref):
    g0 = b_ref[0, 0]
    g1 = b_ref[1, 0]
    merged = jnp.where(g1 != UNWRITTEN, g1,
                       jnp.where(g0 != UNWRITTEN, g0, NEG))
    x1_ref[...] = jnp.max(merged, axis=1, keepdims=True).reshape(
        1, 1, BAND_ROWS)
    x2p_ref[...] = jnp.max(merged, axis=0, keepdims=True)[None]


_merge_call = pl.pallas_call(
    _merge_body,
    grid=(N_BANDS,),
    in_specs=[pl.BlockSpec((2, 1, BAND_ROWS, WP), lambda i: (0, i, 0, 0))],
    out_specs=[
        pl.BlockSpec((1, 1, BAND_ROWS), lambda i: (i, 0, 0)),
        pl.BlockSpec((1, 1, WP), lambda i: (i, 0, 0)),
    ],
    out_shape=[
        jax.ShapeDtypeStruct((N_BANDS, 1, BAND_ROWS), jnp.float32),
        jax.ShapeDtypeStruct((N_BANDS, 1, WP), jnp.float32),
    ],
)


def _combine_body(p_ref, o_ref):
    o_ref[...] = jnp.max(p_ref[...], axis=0)


_combine_call = pl.pallas_call(
    _combine_body,
    out_shape=jax.ShapeDtypeStruct((1, WP), jnp.float32),
)


_sc_mesh = plsc.VectorSubcoreMesh(core_axis_name="c", subcore_axis_name="s")


@functools.partial(
    pl.kernel,
    out_type=jax.ShapeDtypeStruct((2, N_BANDS, BAND_WORDS), jnp.float32),
    mesh=_sc_mesh,
    compiler_params=pltpu.CompilerParams(needs_layout_passes=False),
    scratch_types=[
        pltpu.VMEM((BAND_WORDS,), jnp.float32),
        pltpu.VMEM((CHUNK,), jnp.int32),
        pltpu.VMEM((CHUNK,), jnp.int32),
        pltpu.VMEM((CHUNK,), jnp.float32),
        pltpu.VMEM((CHUNK,), jnp.float32),
        pltpu.SemaphoreType.DMA,
        pltpu.SemaphoreType.DMA,
    ],
)
def _sc_scatter(cell_hbm, val_hbm, band_hbm, grid_v, cell_v0, cell_v1,
                val_v0, val_v1, sem0, sem1):
    half = lax.axis_index("c")
    band = lax.axis_index("s")
    lo = band * BAND_WORDS
    base = half * HALF

    unw16 = jnp.full((16,), UNWRITTEN, jnp.float32)

    def init_body(j, _):
        grid_v[pl.ds(j * 16, 16)] = unw16
        return 0

    lax.fori_loop(0, BAND_WORDS // 16, init_body, 0, unroll=8)

    def fire(g, cell_buf, val_buf, sem):
        off = base + g * CHUNK
        pltpu.async_copy(cell_hbm.at[pl.ds(off, CHUNK)], cell_buf, sem)
        pltpu.async_copy(val_hbm.at[pl.ds(off, CHUNK)], val_buf, sem)

    def drain(cell_buf, val_buf, sem):
        pltpu.make_async_copy(cell_hbm.at[pl.ds(0, CHUNK)], cell_buf,
                              sem).wait()
        pltpu.make_async_copy(val_hbm.at[pl.ds(0, CHUNK)], val_buf,
                              sem).wait()

    GROUP = 5

    def process(cell_buf, val_buf):
        def upd_body(k, _):
            locs, vals, lasts = [], [], []
            for u in range(GROUP):
                sl = pl.ds((k * GROUP + u) * 16, 16)
                local = cell_buf[sl] - lo
                v = val_buf[sl]
                m = (local >= 0) & (local < BAND_WORDS)
                _, last = plsc.scan_count(local, mask=m)
                locs.append(local)
                vals.append(v)
                lasts.append(last)
            for u in range(GROUP):
                plsc.store_scatter(grid_v, [locs[u]], vals[u],
                                   mask=lasts[u])
            return 0

        lax.fori_loop(0, VREGS_PER_CHUNK // GROUP, upd_body, 0, unroll=2)

    fire(0, cell_v0, val_v0, sem0)
    fire(1, cell_v1, val_v1, sem1)

    def pair_body(i, _):
        drain(cell_v0, val_v0, sem0)
        process(cell_v0, val_v0)

        @pl.when(i < N_CHUNK // 2 - 1)
        def _():
            fire(2 * i + 2, cell_v0, val_v0, sem0)

        drain(cell_v1, val_v1, sem1)
        process(cell_v1, val_v1)

        @pl.when(i < N_CHUNK // 2 - 1)
        def _():
            fire(2 * i + 3, cell_v1, val_v1, sem1)

        return 0

    lax.fori_loop(0, N_CHUNK // 2, pair_body, 0)

    pltpu.sync_copy(grid_v, band_hbm.at[half, band])


def kernel(input_1, T_out, T_indices, W1, b1, W2, b2, W3, b3, W4, b4):
    del T_out
    val2d, cell2d = _conv_call(
        input_1, T_indices,
        W1, b1[:, None], W2, b2[:, None], W3, b3[:, None], W4, b4[:, None],
    )
    bands = _sc_scatter(cell2d.reshape(-1), val2d.reshape(-1))
    x1p, x2parts = _merge_call(bands.reshape(2, N_BANDS, BAND_ROWS, WP))
    x2p = _combine_call(x2parts)
    return x1p.reshape(-1)[:H], x2p[0, :W]

# --- scband reference (transcript-rebuilt; emitter-appended) ---
"""Pipeline reference for scband-ensemble-model-30545807409840 (READ-ONLY COPY).

The authoritative reference and input builder live on the scoring server;
editing this copy changes nothing except your own understanding.
"""

import jax, jax.numpy as jnp
import numpy as np

H, W = 1000, 1000

def setup_inputs(seed: int = 0) -> dict:
    key = jax.random.key(seed)
    ks = jax.random.split(key, 12)
    inp = {}
    inp["input_1"] = jax.random.normal(ks[0], (1, 7, H, W), dtype=jnp.float32)
    inp["T_out"] = jnp.zeros((1, H, W), dtype=jnp.float32)
    inp["T_indices"] = jax.random.randint(ks[1], (2, H, W), 0, 1000, dtype=jnp.int32)
    # fuse_2d_3d parameters: Conv2d(7,18,1) -> Conv2d(18,36,1) -> Conv2d(36,36,1) -> Conv2d(36,1,1)
    inp["W1"] = jax.random.normal(ks[2], (18, 7), dtype=jnp.float32) * 0.1
    inp["b1"] = jax.random.normal(ks[3], (18,), dtype=jnp.float32) * 0.01
    inp["W2"] = jax.random.normal(ks[4], (36, 18), dtype=jnp.float32) * 0.1
    inp["b2"] = jax.random.normal(ks[5], (36,), dtype=jnp.float32) * 0.01
    inp["W3"] = jax.random.normal(ks[6], (36, 36), dtype=jnp.float32) * 0.1
    inp["b3"] = jax.random.normal(ks[7], (36,), dtype=jnp.float32) * 0.01
    inp["W4"] = jax.random.normal(ks[8], (1, 36), dtype=jnp.float32) * 0.1
    inp["b4"] = jax.random.normal(ks[9], (1,), dtype=jnp.float32) * 0.01
    return inp

def _conv1x1(x, Wt, b):
    # x: [B, C_in, H, W], Wt: [C_out, C_in]
    return jnp.einsum('bchw,oc->bohw', x, Wt) + b[None, :, None, None]

def reference(input_1, T_out, T_indices, W1, b1, W2, b2, W3, b3, W4, b4):
    h = jax.nn.relu(_conv1x1(input_1, W1, b1))
    h = jax.nn.relu(_conv1x1(h, W2, b2))
    h = jax.nn.relu(_conv1x1(h, W3, b3))
    h = _conv1x1(h, W4, b4)  # [1, 1, H, W]
    x0 = h[0, 0]  # [H, W]
    # T_out[:, :, :] = -9999.0
    T = jnp.full(T_out.shape, -9999.0, dtype=T_out.dtype)
    # T_out[:, T_indices[0], T_indices[1]] = x[0, 0, :, :]  (scatter-overwrite)
    vals = jnp.broadcast_to(x0, (T.shape[0],) + x0.shape)
    T = T.at[:, T_indices[0], T_indices[1]].set(vals)
    # MaxPool2d([1,1000], stride=1) on [C=1, H, W] -> max over width
    x1 = jnp.max(T, axis=2).squeeze()
    # MaxPool2d([1000,1], stride=1) -> max over height
    x2 = jnp.max(T, axis=1).squeeze()
    return (x1, x2)

if __name__ == "__main__":
    import jax
    _d = setup_inputs()
    print(jax.jit(kernel)(*tuple(_d.values())))

</pallas_src>

<mosaic_0001>
#map = affine_map<(d0, d1) -> (0)>
#map1 = affine_map<(d0, d1) -> (0, 0, 0)>
module attributes {stable_mosaic.version = 14 : i64} {
  func.func @_sc_scatter(%arg0: i32, %arg1: i32, %arg2: memref<1000000xi32, #tpu.memory_space<hbm>>, %arg3: memref<1000000xf32, #tpu.memory_space<hbm>>, %arg4: memref<2x16x65536xf32, #tpu.memory_space<hbm>>, %arg5: memref<65536xf32, #tpu.memory_space<vmem>>, %arg6: memref<10000xi32, #tpu.memory_space<vmem>>, %arg7: memref<10000xi32, #tpu.memory_space<vmem>>, %arg8: memref<10000xf32, #tpu.memory_space<vmem>>, %arg9: memref<10000xf32, #tpu.memory_space<vmem>>, %arg10: memref<!tpu.dma_semaphore, #tpu.memory_space<semaphore_mem>>, %arg11: memref<!tpu.dma_semaphore, #tpu.memory_space<semaphore_mem>>) attributes {dimension_semantics = [#tpu.dimension_semantics<core_parallel>, #tpu.dimension_semantics<subcore_parallel>], iteration_bounds = array<i64: 2, 16>, scalar_prefetch = 0 : i64, scratch_operands = 7 : i64, tpu.core_type = #tpu.core_type<sc_vector_subcore>, window_params = [{transform_indices = #map}, {transform_indices = #map}, {transform_indices = #map1}]} {
    %mul3A = arith.constant 65536 : i32
    %mul3A_0 = arith.muli %arg1, %mul3A : i32
    %mul3A_1 = arith.constant 500000 : i32
    %mul3A_2 = arith.muli %arg0, %mul3A_1 : i32
    %broadcast_in_dim3A = arith.constant -3.000000e+38 : f32
    %broadcast_in_dim3A_3 = vector.broadcast %broadcast_in_dim3A : f32 to vector<16xf32>
    %scan3A = arith.constant 0 : i32
    %scan3A_4 = arith.constant 0 : i32
    %scan3A_5 = arith.constant 4096 : i32
    %scan3A_6 = arith.addi %scan3A_4, %scan3A_5 : i32
    %scan3A_7 = arith.constant 8 : i32
    %scan3A_8 = scf.for %scan3A_27 = %scan3A_4 to %scan3A_6 step %scan3A_7 iter_args(%scan3A_28 = %scan3A) -> (i32)  : i32 {
      %mul3A_29 = arith.constant 16 : i32
      %mul3A_30 = arith.muli %scan3A_27, %mul3A_29 : i32
      %swap3A = arith.index_cast %mul3A_30 : i32 to index
      %swap3A_31 = tpu.vector_load %arg5[%swap3A] {strides = array<i32>} : memref<65536xf32, #tpu.memory_space<vmem>>, vector<16xf32>,
      tpu.vector_store %arg5[%swap3A], %broadcast_in_dim3A_3 {strides = array<i32>} : memref<65536xf32, #tpu.memory_space<vmem>>, vector<16xf32>,
      %scan3A_32 = arith.constant 0 : i32
      %scan3A_33 = arith.constant 1 : i32
      %scan3A_34 = arith.addi %scan3A_27, %scan3A_33 : i32
      %mul3A_35 = arith.constant 16 : i32
      %mul3A_36 = arith.muli %scan3A_34, %mul3A_35 : i32
      %swap3A_37 = arith.index_cast %mul3A_36 : i32 to index
      %swap3A_38 = tpu.vector_load %arg5[%swap3A_37] {strides = array<i32>} : memref<65536xf32, #tpu.memory_space<vmem>>, vector<16xf32>,
      tpu.vector_store %arg5[%swap3A_37], %broadcast_in_dim3A_3 {strides = array<i32>} : memref<65536xf32, #tpu.memory_space<vmem>>, vector<16xf32>,
      %scan3A_39 = arith.constant 0 : i32
      %scan3A_40 = arith.constant 2 : i32
      %scan3A_41 = arith.addi %scan3A_27, %scan3A_40 : i32
      %mul3A_42 = arith.constant 16 : i32
      %mul3A_43 = arith.muli %scan3A_41, %mul3A_42 : i32
      %swap3A_44 = arith.index_cast %mul3A_43 : i32 to index
      %swap3A_45 = tpu.vector_load %arg5[%swap3A_44] {strides = array<i32>} : memref<65536xf32, #tpu.memory_space<vmem>>, vector<16xf32>,
      tpu.vector_store %arg5[%swap3A_44], %broadcast_in_dim3A_3 {strides = array<i32>} : memref<65536xf32, #tpu.memory_space<vmem>>, vector<16xf32>,
      %scan3A_46 = arith.constant 0 : i32
      %scan3A_47 = arith.constant 3 : i32
      %scan3A_48 = arith.addi %scan3A_27, %scan3A_47 : i32
      %mul3A_49 = arith.constant 16 : i32
      %mul3A_50 = arith.muli %scan3A_48, %mul3A_49 : i32
      %swap3A_51 = arith.index_cast %mul3A_50 : i32 to index
      %swap3A_52 = tpu.vector_load %arg5[%swap3A_51] {strides = array<i32>} : memref<65536xf32, #tpu.memory_space<vmem>>, vector<16xf32>,
      tpu.vector_store %arg5[%swap3A_51], %broadcast_in_dim3A_3 {strides = array<i32>} : memref<65536xf32, #tpu.memory_space<vmem>>, vector<16xf32>,
      %scan3A_53 = arith.constant 0 : i32
      %scan3A_54 = arith.constant 4 : i32
      %scan3A_55 = arith.addi %scan3A_27, %scan3A_54 : i32
      %mul3A_56 = arith.constant 16 : i32
      %mul3A_57 = arith.muli %scan3A_55, %mul3A_56 : i32
      %swap3A_58 = arith.index_cast %mul3A_57 : i32 to index
      %swap3A_59 = tpu.vector_load %arg5[%swap3A_58] {strides = array<i32>} : memref<65536xf32, #tpu.memory_space<vmem>>, vector<16xf32>,
      tpu.vector_store %arg5[%swap3A_58], %broadcast_in_dim3A_3 {strides = array<i32>} : memref<65536xf32, #tpu.memory_space<vmem>>, vector<16xf32>,
      %scan3A_60 = arith.constant 0 : i32
      %scan3A_61 = arith.constant 5 : i32
      %scan3A_62 = arith.addi %scan3A_27, %scan3A_61 : i32
      %mul3A_63 = arith.constant 16 : i32
      %mul3A_64 = arith.muli %scan3A_62, %mul3A_63 : i32
      %swap3A_65 = arith.index_cast %mul3A_64 : i32 to index
      %swap3A_66 = tpu.vector_load %arg5[%swap3A_65] {strides = array<i32>} : memref<65536xf32, #tpu.memory_space<vmem>>, vector<16xf32>,
      tpu.vector_store %arg5[%swap3A_65], %broadcast_in_dim3A_3 {strides = array<i32>} : memref<65536xf32, #tpu.memory_space<vmem>>, vector<16xf32>,
      %scan3A_67 = arith.constant 0 : i32
      %scan3A_68 = arith.constant 6 : i32
      %scan3A_69 = arith.addi %scan3A_27, %scan3A_68 : i32
      %mul3A_70 = arith.constant 16 : i32
      %mul3A_71 = arith.muli %scan3A_69, %mul3A_70 : i32
      %swap3A_72 = arith.index_cast %mul3A_71 : i32 to index
      %swap3A_73 = tpu.vector_load %arg5[%swap3A_72] {strides = array<i32>} : memref<65536xf32, #tpu.memory_space<vmem>>, vector<16xf32>,
      tpu.vector_store %arg5[%swap3A_72], %broadcast_in_dim3A_3 {strides = array<i32>} : memref<65536xf32, #tpu.memory_space<vmem>>, vector<16xf32>,
      %scan3A_74 = arith.constant 0 : i32
      %scan3A_75 = arith.constant 7 : i32
      %scan3A_76 = arith.addi %scan3A_27, %scan3A_75 : i32
      %mul3A_77 = arith.constant 16 : i32
      %mul3A_78 = arith.muli %scan3A_76, %mul3A_77 : i32
      %swap3A_79 = arith.index_cast %mul3A_78 : i32 to index
      %swap3A_80 = tpu.vector_load %arg5[%swap3A_79] {strides = array<i32>} : memref<65536xf32, #tpu.memory_space<vmem>>, vector<16xf32>,
      tpu.vector_store %arg5[%swap3A_79], %broadcast_in_dim3A_3 {strides = array<i32>} : memref<65536xf32, #tpu.memory_space<vmem>>, vector<16xf32>,
      %scan3A_81 = arith.constant 0 : i32
      scf.yield %scan3A_81 : i32
    }
    %scan3A_9 = arith.constant 4096 : i32
    %add3A = arith.constant 0 : i32
    %add3A_10 = arith.addi %mul3A_2, %add3A : i32
    %dma_start3A = tpu.memref_slice %arg2[%add3A_10] : memref<1000000xi32, #tpu.memory_space<hbm>> -> memref<10000xi32, #tpu.memory_space<hbm>>
    %dma_start3A_11 = tpu.memref_slice %arg2[%add3A_10] : memref<1000000xi32, #tpu.memory_space<hbm>> -> memref<10000xi32, #tpu.memory_space<hbm>>
    tpu.enqueue_dma source(%dma_start3A_11 : memref<10000xi32, #tpu.memory_space<hbm>>) target(%arg6 : memref<10000xi32, #tpu.memory_space<vmem>>) target_semaphore(%arg10 : memref<!tpu.dma_semaphore, #tpu.memory_space<semaphore_mem>>)
    %dma_start3A_12 = tpu.memref_slice %arg3[%add3A_10] : memref<1000000xf32, #tpu.memory_space<hbm>> -> memref<10000xf32, #tpu.memory_space<hbm>>
    %dma_start3A_13 = tpu.memref_slice %arg3[%add3A_10] : memref<1000000xf32, #tpu.memory_space<hbm>> -> memref<10000xf32, #tpu.memory_space<hbm>>
    tpu.enqueue_dma source(%dma_start3A_13 : memref<10000xf32, #tpu.memory_space<hbm>>) target(%arg8 : memref<10000xf32, #tpu.memory_space<vmem>>) target_semaphore(%arg10 : memref<!tpu.dma_semaphore, #tpu.memory_space<semaphore_mem>>)
    %add3A_14 = arith.constant 10000 : i32
    %add3A_15 = arith.addi %mul3A_2, %add3A_14 : i32
    %dma_start3A_16 = tpu.memref_slice %arg2[%add3A_15] : memref<1000000xi32, #tpu.memory_space<hbm>> -> memref<10000xi32, #tpu.memory_space<hbm>>
    %dma_start3A_17 = tpu.memref_slice %arg2[%add3A_15] : memref<1000000xi32, #tpu.memory_space<hbm>> -> memref<10000xi32, #tpu.memory_space<hbm>>
    tpu.enqueue_dma source(%dma_start3A_17 : memref<10000xi32, #tpu.memory_space<hbm>>) target(%arg7 : memref<10000xi32, #tpu.memory_space<vmem>>) target_semaphore(%arg11 : memref<!tpu.dma_semaphore, #tpu.memory_space<semaphore_mem>>)
    %dma_start3A_18 = tpu.memref_slice %arg3[%add3A_15] : memref<1000000xf32, #tpu.memory_space<hbm>> -> memref<10000xf32, #tpu.memory_space<hbm>>
    %dma_start3A_19 = tpu.memref_slice %arg3[%add3A_15] : memref<1000000xf32, #tpu.memory_space<hbm>> -> memref<10000xf32, #tpu.memory_space<hbm>>
    tpu.enqueue_dma source(%dma_start3A_19 : memref<10000xf32, #tpu.memory_space<hbm>>) target(%arg9 : memref<10000xf32, #tpu.memory_space<vmem>>) target_semaphore(%arg11 : memref<!tpu.dma_semaphore, #tpu.memory_space<semaphore_mem>>)
    %scan3A_20 = arith.constant 0 : i32
    %scan3A_21 = arith.constant 0 : i32
    %scan3A_22 = arith.constant 25 : i32
    %scan3A_23 = arith.addi %scan3A_21, %scan3A_22 : i32
    %scan3A_24 = arith.constant 1 : i32
    %scan3A_25 = scf.for %scan3A_27 = %scan3A_21 to %scan3A_23 step %scan3A_24 iter_args(%scan3A_28 = %scan3A_20) -> (i32)  : i32 {
      %dma_wait3A = arith.constant 0 : i32
      %dma_wait3A_29 = tpu.memref_slice %arg2[%dma_wait3A] : memref<1000000xi32, #tpu.memory_space<hbm>> -> memref<10000xi32, #tpu.memory_space<hbm>>
      %dma_wait3A_30 = arith.constant 0 : i32
      %dma_wait3A_31 = tpu.memref_slice %arg2[%dma_wait3A_30] : memref<1000000xi32, #tpu.memory_space<hbm>> -> memref<10000xi32, #tpu.memory_space<hbm>>
      tpu.wait_dma2 semaphore(%arg10 : memref<!tpu.dma_semaphore, #tpu.memory_space<semaphore_mem>>) src(%dma_wait3A_31 : memref<10000xi32, #tpu.memory_space<hbm>>) dst(%arg6 : memref<10000xi32, #tpu.memory_space<vmem>>)
      %dma_wait3A_32 = arith.constant 0 : i32
      %dma_wait3A_33 = tpu.memref_slice %arg3[%dma_wait3A_32] : memref<1000000xf32, #tpu.memory_space<hbm>> -> memref<10000xf32, #tpu.memory_space<hbm>>
      %dma_wait3A_34 = arith.constant 0 : i32
      %dma_wait3A_35 = tpu.memref_slice %arg3[%dma_wait3A_34] : memref<1000000xf32, #tpu.memory_space<hbm>> -> memref<10000xf32, #tpu.memory_space<hbm>>
      tpu.wait_dma2 semaphore(%arg10 : memref<!tpu.dma_semaphore, #tpu.memory_space<semaphore_mem>>) src(%dma_wait3A_35 : memref<10000xf32, #tpu.memory_space<hbm>>) dst(%arg8 : memref<10000xf32, #tpu.memory_space<vmem>>)
      %scan3A_36 = arith.constant 0 : i32
      %scan3A_37 = arith.constant 0 : i32
      %scan3A_38 = arith.constant 124 : i32
      %scan3A_39 = arith.addi %scan3A_37, %scan3A_38 : i32
      %scan3A_40 = arith.constant 2 : i32
      %scan3A_41 = scf.for %scan3A_277 = %scan3A_37 to %scan3A_39 step %scan3A_40 iter_args(%scan3A_278 = %scan3A_36) -> (i32)  : i32 {
        %mul3A_279 = arith.constant 5 : i32
        %mul3A_280 = arith.muli %scan3A_277, %mul3A_279 : i32
        %add3A_281 = arith.constant 0 : i32
        %add3A_282 = arith.addi %mul3A_280, %add3A_281 : i32
        %mul3A_283 = arith.constant 16 : i32
        %mul3A_284 = arith.muli %add3A_282, %mul3A_283 : i32
        %get3A_285 = arith.index_cast %mul3A_284 : i32 to index
        %get3A_286 = tpu.vector_load %arg6[%get3A_285] {strides = array<i32>} : memref<10000xi32, #tpu.memory_space<vmem>>, vector<16xi32>,
        %sub3A_287 = vector.broadcast %mul3A_0 : i32 to vector<16xi32>
        %sub3A_288 = arith.subi %get3A_286, %sub3A_287 : vector<16xi32>
        %get3A_289 = arith.index_cast %mul3A_284 : i32 to index
        %get3A_290 = tpu.vector_load %arg8[%get3A_289] {strides = array<i32>} : memref<10000xf32, #tpu.memory_space<vmem>>, vector<16xf32>,
        %ge3A_291 = arith.constant 0 : i32
        %ge3A_292 = vector.broadcast %ge3A_291 : i32 to vector<16xi32>
        %ge3A_293 = arith.cmpi sge, %sub3A_288, %ge3A_292 : vector<16xi32>
        %lt3A_294 = arith.constant 65536 : i32
        %lt3A_295 = vector.broadcast %lt3A_294 : i32 to vector<16xi32>
        %lt3A_296 = arith.cmpi slt, %sub3A_288, %lt3A_295 : vector<16xi32>
        %and3A_297 = arith.andi %ge3A_293, %lt3A_296 : vector<16xi1>
        %unique3A_298, %unique3A_299 = tpu.scan_count mask(%and3A_297 : vector<16xi1>) value(%sub3A_288 : vector<16xi32>) : vector<16xi1>, vector<16xi32>
        %mul3A_300 = arith.constant 5 : i32
        %mul3A_301 = arith.muli %scan3A_277, %mul3A_300 : i32
        %add3A_302 = arith.constant 1 : i32
        %add3A_303 = arith.addi %mul3A_301, %add3A_302 : i32
        %mul3A_304 = arith.constant 16 : i32
        %mul3A_305 = arith.muli %add3A_303, %mul3A_304 : i32
        %get3A_306 = arith.index_cast %mul3A_305 : i32 to index
        %get3A_307 = tpu.vector_load %arg6[%get3A_306] {strides = array<i32>} : memref<10000xi32, #tpu.memory_space<vmem>>, vector<16xi32>,
        %sub3A_308 = vector.broadcast %mul3A_0 : i32 to vector<16xi32>
        %sub3A_309 = arith.subi %get3A_307, %sub3A_308 : vector<16xi32>
        %get3A_310 = arith.index_cast %mul3A_305 : i32 to index
        %get3A_311 = tpu.vector_load %arg8[%get3A_310] {strides = array<i32>} : memref<10000xf32, #tpu.memory_space<vmem>>, vector<16xf32>,
        %ge3A_312 = arith.constant 0 : i32
        %ge3A_313 = vector.broadcast %ge3A_312 : i32 to vector<16xi32>
        %ge3A_314 = arith.cmpi sge, %sub3A_309, %ge3A_313 : vector<16xi32>
        %lt3A_315 = arith.constant 65536 : i32
        %lt3A_316 = vector.broadcast %lt3A_315 : i32 to vector<16xi32>
        %lt3A_317 = arith.cmpi slt, %sub3A_309, %lt3A_316 : vector<16xi32>
        %and3A_318 = arith.andi %ge3A_314, %lt3A_317 : vector<16xi1>
        %unique3A_319, %unique3A_320 = tpu.scan_count mask(%and3A_318 : vector<16xi1>) value(%sub3A_309 : vector<16xi32>) : vector<16xi1>, vector<16xi32>
        %mul3A_321 = arith.constant 5 : i32
        %mul3A_322 = arith.muli %scan3A_277, %mul3A_321 : i32
        %add3A_323 = arith.constant 2 : i32
        %add3A_324 = arith.addi %mul3A_322, %add3A_323 : i32
        %mul3A_325 = arith.constant 16 : i32
        %mul3A_326 = arith.muli %add3A_324, %mul3A_325 : i32
        %get3A_327 = arith.index_cast %mul3A_326 : i32 to index
        %get3A_328 = tpu.vector_load %arg6[%get3A_327] {strides = array<i32>} : memref<10000xi32, #tpu.memory_space<vmem>>, vector<16xi32>,
        %sub3A_329 = vector.broadcast %mul3A_0 : i32 to vector<16xi32>
        %sub3A_330 = arith.subi %get3A_328, %sub3A_329 : vector<16xi32>
        %get3A_331 = arith.index_cast %mul3A_326 : i32 to index
        %get3A_332 = tpu.vector_load %arg8[%get3A_331] {strides = array<i32>} : memref<10000xf32, #tpu.memory_space<vmem>>, vector<16xf32>,
        %ge3A_333 = arith.constant 0 : i32
        %ge3A_334 = vector.broadcast %ge3A_333 : i32 to vector<16xi32>
        %ge3A_335 = arith.cmpi sge, %sub3A_330, %ge3A_334 : vector<16xi32>
        %lt3A_336 = arith.constant 65536 : i32
        %lt3A_337 = vector.broadcast %lt3A_336 : i32 to vector<16xi32>
        %lt3A_338 = arith.cmpi slt, %sub3A_330, %lt3A_337 : vector<16xi32>
        %and3A_339 = arith.andi %ge3A_335, %lt3A_338 : vector<16xi1>
        %unique3A_340, %unique3A_341 = tpu.scan_count mask(%and3A_339 : vector<16xi1>) value(%sub3A_330 : vector<16xi32>) : vector<16xi1>, vector<16xi32>
        %mul3A_342 = arith.constant 5 : i32
        %mul3A_343 = arith.muli %scan3A_277, %mul3A_342 : i32
        %add3A_344 = arith.constant 3 : i32
        %add3A_345 = arith.addi %mul3A_343, %add3A_344 : i32
        %mul3A_346 = arith.constant 16 : i32
        %mul3A_347 = arith.muli %add3A_345, %mul3A_346 : i32
        %get3A_348 = arith.index_cast %mul3A_347 : i32 to index
        %get3A_349 = tpu.vector_load %arg6[%get3A_348] {strides = array<i32>} : memref<10000xi32, #tpu.memory_space<vmem>>, vector<16xi32>,
        %sub3A_350 = vector.broadcast %mul3A_0 : i32 to vector<16xi32>
        %sub3A_351 = arith.subi %get3A_349, %sub3A_350 : vector<16xi32>
        %get3A_352 = arith.index_cast %mul3A_347 : i32 to index
        %get3A_353 = tpu.vector_load %arg8[%get3A_352] {strides = array<i32>} : memref<10000xf32, #tpu.memory_space<vmem>>, vector<16xf32>,
        %ge3A_354 = arith.constant 0 : i32
        %ge3A_355 = vector.broadcast %ge3A_354 : i32 to vector<16xi32>
        %ge3A_356 = arith.cmpi sge, %sub3A_351, %ge3A_355 : vector<16xi32>
        %lt3A_357 = arith.constant 65536 : i32
        %lt3A_358 = vector.broadcast %lt3A_357 : i32 to vector<16xi32>
        %lt3A_359 = arith.cmpi slt, %sub3A_351, %lt3A_358 : vector<16xi32>
        %and3A_360 = arith.andi %ge3A_356, %lt3A_359 : vector<16xi1>
        %unique3A_361, %unique3A_362 = tpu.scan_count mask(%and3A_360 : vector<16xi1>) value(%sub3A_351 : vector<16xi32>) : vector<16xi1>, vector<16xi32>
        %mul3A_363 = arith.constant 5 : i32
        %mul3A_364 = arith.muli %scan3A_277, %mul3A_363 : i32
        %add3A_365 = arith.constant 4 : i32
        %add3A_366 = arith.addi %mul3A_364, %add3A_365 : i32
        %mul3A_367 = arith.constant 16 : i32
        %mul3A_368 = arith.muli %add3A_366, %mul3A_367 : i32
        %get3A_369 = arith.index_cast %mul3A_368 : i32 to index
        %get3A_370 = tpu.vector_load %arg6[%get3A_369] {strides = array<i32>} : memref<10000xi32, #tpu.memory_space<vmem>>, vector<16xi32>,
        %sub3A_371 = vector.broadcast %mul3A_0 : i32 to vector<16xi32>
        %sub3A_372 = arith.subi %get3A_370, %sub3A_371 : vector<16xi32>
        %get3A_373 = arith.index_cast %mul3A_368 : i32 to index
        %get3A_374 = tpu.vector_load %arg8[%get3A_373] {strides = array<i32>} : memref<10000xf32, #tpu.memory_space<vmem>>, vector<16xf32>,
        %ge3A_375 = arith.constant 0 : i32
        %ge3A_376 = vector.broadcast %ge3A_375 : i32 to vector<16xi32>
        %ge3A_377 = arith.cmpi sge, %sub3A_372, %ge3A_376 : vector<16xi32>
        %lt3A_378 = arith.constant 65536 : i32
        %lt3A_379 = vector.broadcast %lt3A_378 : i32 to vector<16xi32>
        %lt3A_380 = arith.cmpi slt, %sub3A_372, %lt3A_379 : vector<16xi32>
        %and3A_381 = arith.andi %ge3A_377, %lt3A_380 : vector<16xi1>
        %unique3A_382, %unique3A_383 = tpu.scan_count mask(%and3A_381 : vector<16xi1>) value(%sub3A_372 : vector<16xi32>) : vector<16xi1>, vector<16xi32>
        tpu.vector_store_idx %arg5[%sub3A_288], %get3A_290 masked %unique3A_298 : memref<65536xf32, #tpu.memory_space<vmem>>[vector<16xi32>], vector<16xf32>, vector<16xi1>
        tpu.vector_store_idx %arg5[%sub3A_309], %get3A_311 masked %unique3A_319 : memref<65536xf32, #tpu.memory_space<vmem>>[vector<16xi32>], vector<16xf32>, vector<16xi1>
        tpu.vector_store_idx %arg5[%sub3A_330], %get3A_332 masked %unique3A_340 : memref<65536xf32, #tpu.memory_space<vmem>>[vector<16xi32>], vector<16xf32>, vector<16xi1>
        tpu.vector_store_idx %arg5[%sub3A_351], %get3A_353 masked %unique3A_361 : memref<65536xf32, #tpu.memory_space<vmem>>[vector<16xi32>], vector<16xf32>, vector<16xi1>
        tpu.vector_store_idx %arg5[%sub3A_372], %get3A_374 masked %unique3A_382 : memref<65536xf32, #tpu.memory_space<vmem>>[vector<16xi32>], vector<16xf32>, vector<16xi1>
        %scan3A_384 = arith.constant 0 : i32
        %scan3A_385 = arith.constant 1 : i32
        %scan3A_386 = arith.addi %scan3A_277, %scan3A_385 : i32
        %mul3A_387 = arith.constant 5 : i32
        %mul3A_388 = arith.muli %scan3A_386, %mul3A_387 : i32
        %add3A_389 = arith.constant 0 : i32
        %add3A_390 = arith.addi %mul3A_388, %add3A_389 : i32
        %mul3A_391 = arith.constant 16 : i32
        %mul3A_392 = arith.muli %add3A_390, %mul3A_391 : i32
        %get3A_393 = arith.index_cast %mul3A_392 : i32 to index
        %get3A_394 = tpu.vector_load %arg6[%get3A_393] {strides = array<i32>} : memref<10000xi32, #tpu.memory_space<vmem>>, vector<16xi32>,
        %sub3A_395 = vector.broadcast %mul3A_0 : i32 to vector<16xi32>
        %sub3A_396 = arith.subi %get3A_394, %sub3A_395 : vector<16xi32>
        %get3A_397 = arith.index_cast %mul3A_392 : i32 to index
        %get3A_398 = tpu.vector_load %arg8[%get3A_397] {strides = array<i32>} : memref<10000xf32, #tpu.memory_space<vmem>>, vector<16xf32>,
        %ge3A_399 = arith.constant 0 : i32
        %ge3A_400 = vector.broadcast %ge3A_399 : i32 to vector<16xi32>
        %ge3A_401 = arith.cmpi sge, %sub3A_396, %ge3A_400 : vector<16xi32>
        %lt3A_402 = arith.constant 65536 : i32
        %lt3A_403 = vector.broadcast %lt3A_402 : i32 to vector<16xi32>
        %lt3A_404 = arith.cmpi slt, %sub3A_396, %lt3A_403 : vector<16xi32>
        %and3A_405 = arith.andi %ge3A_401, %lt3A_404 : vector<16xi1>
        %unique3A_406, %unique3A_407 = tpu.scan_count mask(%and3A_405 : vector<16xi1>) value(%sub3A_396 : vector<16xi32>) : vector<16xi1>, vector<16xi32>
        %mul3A_408 = arith.constant 5 : i32
        %mul3A_409 = arith.muli %scan3A_386, %mul3A_408 : i32
        %add3A_410 = arith.constant 1 : i32
        %add3A_411 = arith.addi %mul3A_409, %add3A_410 : i32
        %mul3A_412 = arith.constant 16 : i32
        %mul3A_413 = arith.muli %add3A_411, %mul3A_412 : i32
        %get3A_414 = arith.index_cast %mul3A_413 : i32 to index
        %get3A_415 = tpu.vector_load %arg6[%get3A_414] {strides = array<i32>} : memref<10000xi32, #tpu.memory_space<vmem>>, vector<16xi32>,
        %sub3A_416 = vector.broadcast %mul3A_0 : i32 to vector<16xi32>
        %sub3A_417 = arith.subi %get3A_415, %sub3A_416 : vector<16xi32>
        %get3A_418 = arith.index_cast %mul3A_413 : i32 to index
        %get3A_419 = tpu.vector_load %arg8[%get3A_418] {strides = array<i32>} : memref<10000xf32, #tpu.memory_space<vmem>>, vector<16xf32>,
        %ge3A_420 = arith.constant 0 : i32
        %ge3A_421 = vector.broadcast %ge3A_420 : i32 to vector<16xi32>
        %ge3A_422 = arith.cmpi sge, %sub3A_417, %ge3A_421 : vector<16xi32>
        %lt3A_423 = arith.constant 65536 : i32
        %lt3A_424 = vector.broadcast %lt3A_423 : i32 to vector<16xi32>
        %lt3A_425 = arith.cmpi slt, %sub3A_417, %lt3A_424 : vector<16xi32>
        %and3A_426 = arith.andi %ge3A_422, %lt3A_425 : vector<16xi1>
        %unique3A_427, %unique3A_428 = tpu.scan_count mask(%and3A_426 : vector<16xi1>) value(%sub3A_417 : vector<16xi32>) : vector<16xi1>, vector<16xi32>
        %mul3A_429 = arith.constant 5 : i32
        %mul3A_430 = arith.muli %scan3A_386, %mul3A_429 : i32
        %add3A_431 = arith.constant 2 : i32
        %add3A_432 = arith.addi %mul3A_430, %add3A_431 : i32
        %mul3A_433 = arith.constant 16 : i32
        %mul3A_434 = arith.muli %add3A_432, %mul3A_433 : i32
        %get3A_435 = arith.index_cast %mul3A_434 : i32 to index
        %get3A_436 = tpu.vector_load %arg6[%get3A_435] {strides = array<i32>} : memref<10000xi32, #tpu.memory_space<vmem>>, vector<16xi32>,
        %sub3A_437 = vector.broadcast %mul3A_0 : i32 to vector<16xi32>
        %sub3A_438 = arith.subi %get3A_436, %sub3A_437 : vector<16xi32>
        %get3A_439 = arith.index_cast %mul3A_434 : i32 to index
        %get3A_440 = tpu.vector_load %arg8[%get3A_439] {strides = array<i32>} : memref<10000xf32, #tpu.memory_space<vmem>>, vector<16xf32>,
        %ge3A_441 = arith.constant 0 : i32
        %ge3A_442 = vector.broadcast %ge3A_441 : i32 to vector<16xi32>
        %ge3A_443 = arith.cmpi sge, %sub3A_438, %ge3A_442 : vector<16xi32>
        %lt3A_444 = arith.constant 65536 : i32
        %lt3A_445 = vector.broadcast %lt3A_444 : i32 to vector<16xi32>
        %lt3A_446 = arith.cmpi slt, %sub3A_438, %lt3A_445 : vector<16xi32>
        %and3A_447 = arith.andi %ge3A_443, %lt3A_446 : vector<16xi1>
        %unique3A_448, %unique3A_449 = tpu.scan_count mask(%and3A_447 : vector<16xi1>) value(%sub3A_438 : vector<16xi32>) : vector<16xi1>, vector<16xi32>
        %mul3A_450 = arith.constant 5 : i32
        %mul3A_451 = arith.muli %scan3A_386, %mul3A_450 : i32
        %add3A_452 = arith.constant 3 : i32
        %add3A_453 = arith.addi %mul3A_451, %add3A_452 : i32
        %mul3A_454 = arith.constant 16 : i32
        %mul3A_455 = arith.muli %add3A_453, %mul3A_454 : i32
        %get3A_456 = arith.index_cast %mul3A_455 : i32 to index
        %get3A_457 = tpu.vector_load %arg6[%get3A_456] {strides = array<i32>} : memref<10000xi32, #tpu.memory_space<vmem>>, vector<16xi32>,
        %sub3A_458 = vector.broadcast %mul3A_0 : i32 to vector<16xi32>
        %sub3A_459 = arith.subi %get3A_457, %sub3A_458 : vector<16xi32>
        %get3A_460 = arith.index_cast %mul3A_455 : i32 to index
        %get3A_461 = tpu.vector_load %arg8[%get3A_460] {strides = array<i32>} : memref<10000xf32, #tpu.memory_space<vmem>>, vector<16xf32>,
        %ge3A_462 = arith.constant 0 : i32
        %ge3A_463 = vector.broadcast %ge3A_462 : i32 to vector<16xi32>
        %ge3A_464 = arith.cmpi sge, %sub3A_459, %ge3A_463 : vector<16xi32>
        %lt3A_465 = arith.constant 65536 : i32
        %lt3A_466 = vector.broadcast %lt3A_465 : i32 to vector<16xi32>
        %lt3A_467 = arith.cmpi slt, %sub3A_459, %lt3A_466 : vector<16xi32>
        %and3A_468 = arith.andi %ge3A_464, %lt3A_467 : vector<16xi1>
        %unique3A_469, %unique3A_470 = tpu.scan_count mask(%and3A_468 : vector<16xi1>) value(%sub3A_459 : vector<16xi32>) : vector<16xi1>, vector<16xi32>
        %mul3A_471 = arith.constant 5 : i32
        %mul3A_472 = arith.muli %scan3A_386, %mul3A_471 : i32
        %add3A_473 = arith.constant 4 : i32
        %add3A_474 = arith.addi %mul3A_472, %add3A_473 : i32
        %mul3A_475 = arith.constant 16 : i32
        %mul3A_476 = arith.muli %add3A_474, %mul3A_475 : i32
        %get3A_477 = arith.index_cast %mul3A_476 : i32 to index
        %get3A_478 = tpu.vector_load %arg6[%get3A_477] {strides = array<i32>} : memref<10000xi32, #tpu.memory_space<vmem>>, vector<16xi32>,
        %sub3A_479 = vector.broadcast %mul3A_0 : i32 to vector<16xi32>
        %sub3A_480 = arith.subi %get3A_478, %sub3A_479 : vector<16xi32>
        %get3A_481 = arith.index_cast %mul3A_476 : i32 to index
        %get3A_482 = tpu.vector_load %arg8[%get3A_481] {strides = array<i32>} : memref<10000xf32, #tpu.memory_space<vmem>>, vector<16xf32>,
        %ge3A_483 = arith.constant 0 : i32
        %ge3A_484 = vector.broadcast %ge3A_483 : i32 to vector<16xi32>
        %ge3A_485 = arith.cmpi sge, %sub3A_480, %ge3A_484 : vector<16xi32>
        %lt3A_486 = arith.constant 65536 : i32
        %lt3A_487 = vector.broadcast %lt3A_486 : i32 to vector<16xi32>
        %lt3A_488 = arith.cmpi slt, %sub3A_480, %lt3A_487 : vector<16xi32>
        %and3A_489 = arith.andi %ge3A_485, %lt3A_488 : vector<16xi1>
        %unique3A_490, %unique3A_491 = tpu.scan_count mask(%and3A_489 : vector<16xi1>) value(%sub3A_480 : vector<16xi32>) : vector<16xi1>, vector<16xi32>
        tpu.vector_store_idx %arg5[%sub3A_396], %get3A_398 masked %unique3A_406 : memref<65536xf32, #tpu.memory_space<vmem>>[vector<16xi32>], vector<16xf32>, vector<16xi1>
        tpu.vector_store_idx %arg5[%sub3A_417], %get3A_419 masked %unique3A_427 : memref<65536xf32, #tpu.memory_space<vmem>>[vector<16xi32>], vector<16xf32>, vector<16xi1>
        tpu.vector_store_idx %arg5[%sub3A_438], %get3A_440 masked %unique3A_448 : memref<65536xf32, #tpu.memory_space<vmem>>[vector<16xi32>], vector<16xf32>, vector<16xi1>
        tpu.vector_store_idx %arg5[%sub3A_459], %get3A_461 masked %unique3A_469 : memref<65536xf32, #tpu.memory_space<vmem>>[vector<16xi32>], vector<16xf32>, vector<16xi1>
        tpu.vector_store_idx %arg5[%sub3A_480], %get3A_482 masked %unique3A_490 : memref<65536xf32, #tpu.memory_space<vmem>>[vector<16xi32>], vector<16xf32>, vector<16xi1>
        %scan3A_492 = arith.constant 0 : i32
        scf.yield %scan3A_492 : i32
      }
      %scan3A_42 = arith.constant 124 : i32
      %scan3A_43 = arith.addi %scan3A_37, %scan3A_42 : i32
      %mul3A_44 = arith.constant 5 : i32
      %mul3A_45 = arith.muli %scan3A_43, %mul3A_44 : i32
      %add3A_46 = arith.constant 0 : i32
      %add3A_47 = arith.addi %mul3A_45, %add3A_46 : i32
      %mul3A_48 = arith.constant 16 : i32
      %mul3A_49 = arith.muli %add3A_47, %mul3A_48 : i32
      %get3A = arith.index_cast %mul3A_49 : i32 to index
      %get3A_50 = tpu.vector_load %arg6[%get3A] {strides = array<i32>} : memref<10000xi32, #tpu.memory_space<vmem>>, vector<16xi32>,
      %sub3A = vector.broadcast %mul3A_0 : i32 to vector<16xi32>
      %sub3A_51 = arith.subi %get3A_50, %sub3A : vector<16xi32>
      %get3A_52 = arith.index_cast %mul3A_49 : i32 to index
      %get3A_53 = tpu.vector_load %arg8[%get3A_52] {strides = array<i32>} : memref<10000xf32, #tpu.memory_space<vmem>>, vector<16xf32>,
      %ge3A = arith.constant 0 : i32
      %ge3A_54 = vector.broadcast %ge3A : i32 to vector<16xi32>
      %ge3A_55 = arith.cmpi sge, %sub3A_51, %ge3A_54 : vector<16xi32>
      %lt3A = arith.constant 65536 : i32
      %lt3A_56 = vector.broadcast %lt3A : i32 to vector<16xi32>
      %lt3A_57 = arith.cmpi slt, %sub3A_51, %lt3A_56 : vector<16xi32>
      %and3A = arith.andi %ge3A_55, %lt3A_57 : vector<16xi1>
      %unique3A, %unique3A_58 = tpu.scan_count mask(%and3A : vector<16xi1>) value(%sub3A_51 : vector<16xi32>) : vector<16xi1>, vector<16xi32>
      %mul3A_59 = arith.constant 5 : i32
      %mul3A_60 = arith.muli %scan3A_43, %mul3A_59 : i32
      %add3A_61 = arith.constant 1 : i32
      %add3A_62 = arith.addi %mul3A_60, %add3A_61 : i32
      %mul3A_63 = arith.constant 16 : i32
      %mul3A_64 = arith.muli %add3A_62, %mul3A_63 : i32
      %get3A_65 = arith.index_cast %mul3A_64 : i32 to index
      %get3A_66 = tpu.vector_load %arg6[%get3A_65] {strides = array<i32>} : memref<10000xi32, #tpu.memory_space<vmem>>, vector<16xi32>,
      %sub3A_67 = vector.broadcast %mul3A_0 : i32 to vector<16xi32>
      %sub3A_68 = arith.subi %get3A_66, %sub3A_67 : vector<16xi32>
      %get3A_69 = arith.index_cast %mul3A_64 : i32 to index
      %get3A_70 = tpu.vector_load %arg8[%get3A_69] {strides = array<i32>} : memref<10000xf32, #tpu.memory_space<vmem>>, vector<16xf32>,
      %ge3A_71 = arith.constant 0 : i32
      %ge3A_72 = vector.broadcast %ge3A_71 : i32 to vector<16xi32>
      %ge3A_73 = arith.cmpi sge, %sub3A_68, %ge3A_72 : vector<16xi32>
      %lt3A_74 = arith.constant 65536 : i32
      %lt3A_75 = vector.broadcast %lt3A_74 : i32 to vector<16xi32>
      %lt3A_76 = arith.cmpi slt, %sub3A_68, %lt3A_75 : vector<16xi32>
      %and3A_77 = arith.andi %ge3A_73, %lt3A_76 : vector<16xi1>
      %unique3A_78, %unique3A_79 = tpu.scan_count mask(%and3A_77 : vector<16xi1>) value(%sub3A_68 : vector<16xi32>) : vector<16xi1>, vector<16xi32>
      %mul3A_80 = arith.constant 5 : i32
      %mul3A_81 = arith.muli %scan3A_43, %mul3A_80 : i32
      %add3A_82 = arith.constant 2 : i32
      %add3A_83 = arith.addi %mul3A_81, %add3A_82 : i32
      %mul3A_84 = arith.constant 16 : i32
      %mul3A_85 = arith.muli %add3A_83, %mul3A_84 : i32
      %get3A_86 = arith.index_cast %mul3A_85 : i32 to index
      %get3A_87 = tpu.vector_load %arg6[%get3A_86] {strides = array<i32>} : memref<10000xi32, #tpu.memory_space<vmem>>, vector<16xi32>,
      %sub3A_88 = vector.broadcast %mul3A_0 : i32 to vector<16xi32>
      %sub3A_89 = arith.subi %get3A_87, %sub3A_88 : vector<16xi32>
      %get3A_90 = arith.index_cast %mul3A_85 : i32 to index
      %get3A_91 = tpu.vector_load %arg8[%get3A_90] {strides = array<i32>} : memref<10000xf32, #tpu.memory_space<vmem>>, vector<16xf32>,
      %ge3A_92 = arith.constant 0 : i32
      %ge3A_93 = vector.broadcast %ge3A_92 : i32 to vector<16xi32>
      %ge3A_94 = arith.cmpi sge, %sub3A_89, %ge3A_93 : vector<16xi32>
      %lt3A_95 = arith.constant 65536 : i32
      %lt3A_96 = vector.broadcast %lt3A_95 : i32 to vector<16xi32>
      %lt3A_97 = arith.cmpi slt, %sub3A_89, %lt3A_96 : vector<16xi32>
      %and3A_98 = arith.andi %ge3A_94, %lt3A_97 : vector<16xi1>
      %unique3A_99, %unique3A_100 = tpu.scan_count mask(%and3A_98 : vector<16xi1>) value(%sub3A_89 : vector<16xi32>) : vector<16xi1>, vector<16xi32>
      %mul3A_101 = arith.constant 5 : i32
      %mul3A_102 = arith.muli %scan3A_43, %mul3A_101 : i32
      %add3A_103 = arith.constant 3 : i32
      %add3A_104 = arith.addi %mul3A_102, %add3A_103 : i32
      %mul3A_105 = arith.constant 16 : i32
      %mul3A_106 = arith.muli %add3A_104, %mul3A_105 : i32
      %get3A_107 = arith.index_cast %mul3A_106 : i32 to index
      %get3A_108 = tpu.vector_load %arg6[%get3A_107] {strides = array<i32>} : memref<10000xi32, #tpu.memory_space<vmem>>, vector<16xi32>,
      %sub3A_109 = vector.broadcast %mul3A_0 : i32 to vector<16xi32>
      %sub3A_110 = arith.subi %get3A_108, %sub3A_109 : vector<16xi32>
      %get3A_111 = arith.index_cast %mul3A_106 : i32 to index
      %get3A_112 = tpu.vector_load %arg8[%get3A_111] {strides = array<i32>} : memref<10000xf32, #tpu.memory_space<vmem>>, vector<16xf32>,
      %ge3A_113 = arith.constant 0 : i32
      %ge3A_114 = vector.broadcast %ge3A_113 : i32 to vector<16xi32>
      %ge3A_115 = arith.cmpi sge, %sub3A_110, %ge3A_114 : vector<16xi32>
      %lt3A_116 = arith.constant 65536 : i32
      %lt3A_117 = vector.broadcast %lt3A_116 : i32 to vector<16xi32>
      %lt3A_118 = arith.cmpi slt, %sub3A_110, %lt3A_117 : vector<16xi32>
      %and3A_119 = arith.andi %ge3A_115, %lt3A_118 : vector<16xi1>
      %unique3A_120, %unique3A_121 = tpu.scan_count mask(%and3A_119 : vector<16xi1>) value(%sub3A_110 : vector<16xi32>) : vector<16xi1>, vector<16xi32>
      %mul3A_122 = arith.constant 5 : i32
      %mul3A_123 = arith.muli %scan3A_43, %mul3A_122 : i32
      %add3A_124 = arith.constant 4 : i32
      %add3A_125 = arith.addi %mul3A_123, %add3A_124 : i32
      %mul3A_126 = arith.constant 16 : i32
      %mul3A_127 = arith.muli %add3A_125, %mul3A_126 : i32
      %get3A_128 = arith.index_cast %mul3A_127 : i32 to index
      %get3A_129 = tpu.vector_load %arg6[%get3A_128] {strides = array<i32>} : memref<10000xi32, #tpu.memory_space<vmem>>, vector<16xi32>,
      %sub3A_130 = vector.broadcast %mul3A_0 : i32 to vector<16xi32>
      %sub3A_131 = arith.subi %get3A_129, %sub3A_130 : vector<16xi32>
      %get3A_132 = arith.index_cast %mul3A_127 : i32 to index
      %get3A_133 = tpu.vector_load %arg8[%get3A_132] {strides = array<i32>} : memref<10000xf32, #tpu.memory_space<vmem>>, vector<16xf32>,
      %ge3A_134 = arith.constant 0 : i32
      %ge3A_135 = vector.broadcast %ge3A_134 : i32 to vector<16xi32>
      %ge3A_136 = arith.cmpi sge, %sub3A_131, %ge3A_135 : vector<16xi32>
      %lt3A_137 = arith.constant 65536 : i32
      %lt3A_138 = vector.broadcast %lt3A_137 : i32 to vector<16xi32>
      %lt3A_139 = arith.cmpi slt, %sub3A_131, %lt3A_138 : vector<16xi32>
      %and3A_140 = arith.andi %ge3A_136, %lt3A_139 : vector<16xi1>
      %unique3A_141, %unique3A_142 = tpu.scan_count mask(%and3A_140 : vector<16xi1>) value(%sub3A_131 : vector<16xi32>) : vector<16xi1>, vector<16xi32>
      tpu.vector_store_idx %arg5[%sub3A_51], %get3A_53 masked %unique3A : memref<65536xf32, #tpu.memory_space<vmem>>[vector<16xi32>], vector<16xf32>, vector<16xi1>
      tpu.vector_store_idx %arg5[%sub3A_68], %get3A_70 masked %unique3A_78 : memref<65536xf32, #tpu.memory_space<vmem>>[vector<16xi32>], vector<16xf32>, vector<16xi1>
      tpu.vector_store_idx %arg5[%sub3A_89], %get3A_91 masked %unique3A_99 : memref<65536xf32, #tpu.memory_space<vmem>>[vector<16xi32>], vector<16xf32>, vector<16xi1>
      tpu.vector_store_idx %arg5[%sub3A_110], %get3A_112 masked %unique3A_120 : memref<65536xf32, #tpu.memory_space<vmem>>[vector<16xi32>], vector<16xf32>, vector<16xi1>
      tpu.vector_store_idx %arg5[%sub3A_131], %get3A_133 masked %unique3A_141 : memref<65536xf32, #tpu.memory_space<vmem>>[vector<16xi32>], vector<16xf32>, vector<16xi1>
      %scan3A_143 = arith.constant 0 : i32
      %scan3A_144 = arith.constant 125 : i32
      %lt3A_145 = arith.constant 24 : i32
      %lt3A_146 = arith.cmpi slt, %scan3A_27, %lt3A_145 : i32
      %convert_element_type3A = arith.extui %lt3A_146 : i1 to i32
      %cond3A = arith.constant 0 : i32
      %cond3A_147 = arith.cmpi ne, %convert_element_type3A, %cond3A : i32
      scf.if %cond3A_147 {
        %mul3A_277 = arith.constant 2 : i32
        %mul3A_278 = arith.muli %mul3A_277, %scan3A_27 : i32
        %add3A_279 = arith.constant 2 : i32
        %add3A_280 = arith.addi %mul3A_278, %add3A_279 : i32
        %mul3A_281 = arith.constant 10000 : i32
        %mul3A_282 = arith.muli %add3A_280, %mul3A_281 : i32
        %add3A_283 = arith.addi %mul3A_2, %mul3A_282 : i32
        %dma_start3A_284 = tpu.memref_slice %arg2[%add3A_283] : memref<1000000xi32, #tpu.memory_space<hbm>> -> memref<10000xi32, #tpu.memory_space<hbm>>
        %dma_start3A_285 = tpu.memref_slice %arg2[%add3A_283] : memref<1000000xi32, #tpu.memory_space<hbm>> -> memref<10000xi32, #tpu.memory_space<hbm>>
        tpu.enqueue_dma source(%dma_start3A_285 : memref<10000xi32, #tpu.memory_space<hbm>>) target(%arg6 : memref<10000xi32, #tpu.memory_space<vmem>>) target_semaphore(%arg10 : memref<!tpu.dma_semaphore, #tpu.memory_space<semaphore_mem>>)
        %dma_start3A_286 = tpu.memref_slice %arg3[%add3A_283] : memref<1000000xf32, #tpu.memory_space<hbm>> -> memref<10000xf32, #tpu.memory_space<hbm>>
        %dma_start3A_287 = tpu.memref_slice %arg3[%add3A_283] : memref<1000000xf32, #tpu.memory_space<hbm>> -> memref<10000xf32, #tpu.memory_space<hbm>>
        tpu.enqueue_dma source(%dma_start3A_287 : memref<10000xf32, #tpu.memory_space<hbm>>) target(%arg8 : memref<10000xf32, #tpu.memory_space<vmem>>) target_semaphore(%arg10 : memref<!tpu.dma_semaphore, #tpu.memory_space<semaphore_mem>>)
      } else {
      }
      %dma_wait3A_148 = arith.constant 0 : i32
      %dma_wait3A_149 = tpu.memref_slice %arg2[%dma_wait3A_148] : memref<1000000xi32, #tpu.memory_space<hbm>> -> memref<10000xi32, #tpu.memory_space<hbm>>
      %dma_wait3A_150 = arith.constant 0 : i32
      %dma_wait3A_151 = tpu.memref_slice %arg2[%dma_wait3A_150] : memref<1000000xi32, #tpu.memory_space<hbm>> -> memref<10000xi32, #tpu.memory_space<hbm>>
      tpu.wait_dma2 semaphore(%arg11 : memref<!tpu.dma_semaphore, #tpu.memory_space<semaphore_mem>>) src(%dma_wait3A_151 : memref<10000xi32, #tpu.memory_space<hbm>>) dst(%arg7 : memref<10000xi32, #tpu.memory_space<vmem>>)
      %dma_wait3A_152 = arith.constant 0 : i32
      %dma_wait3A_153 = tpu.memref_slice %arg3[%dma_wait3A_152] : memref<1000000xf32, #tpu.memory_space<hbm>> -> memref<10000xf32, #tpu.memory_space<hbm>>
      %dma_wait3A_154 = arith.constant 0 : i32
      %dma_wait3A_155 = tpu.memref_slice %arg3[%dma_wait3A_154] : memref<1000000xf32, #tpu.memory_space<hbm>> -> memref<10000xf32, #tpu.memory_space<hbm>>
      tpu.wait_dma2 semaphore(%arg11 : memref<!tpu.dma_semaphore, #tpu.memory_space<semaphore_mem>>) src(%dma_wait3A_155 : memref<10000xf32, #tpu.memory_space<hbm>>) dst(%arg9 : memref<10000xf32, #tpu.memory_space<vmem>>)
      %scan3A_156 = arith.constant 0 : i32
      %scan3A_157 = arith.constant 0 : i32
      %scan3A_158 = arith.constant 124 : i32
      %scan3A_159 = arith.addi %scan3A_157, %scan3A_158 : i32
      %scan3A_160 = arith.constant 2 : i32
      %scan3A_161 = scf.for %scan3A_277 = %scan3A_157 to %scan3A_159 step %scan3A_160 iter_args(%scan3A_278 = %scan3A_156) -> (i32)  : i32 {
        %mul3A_279 = arith.constant 5 : i32
        %mul3A_280 = arith.muli %scan3A_277, %mul3A_279 : i32
        %add3A_281 = arith.constant 0 : i32
        %add3A_282 = arith.addi %mul3A_280, %add3A_281 : i32
        %mul3A_283 = arith.constant 16 : i32
        %mul3A_284 = arith.muli %add3A_282, %mul3A_283 : i32
        %get3A_285 = arith.index_cast %mul3A_284 : i32 to index
        %get3A_286 = tpu.vector_load %arg7[%get3A_285] {strides = array<i32>} : memref<10000xi32, #tpu.memory_space<vmem>>, vector<16xi32>,
        %sub3A_287 = vector.broadcast %mul3A_0 : i32 to vector<16xi32>
        %sub3A_288 = arith.subi %get3A_286, %sub3A_287 : vector<16xi32>
        %get3A_289 = arith.index_cast %mul3A_284 : i32 to index
        %get3A_290 = tpu.vector_load %arg9[%get3A_289] {strides = array<i32>} : memref<10000xf32, #tpu.memory_space<vmem>>, vector<16xf32>,
        %ge3A_291 = arith.constant 0 : i32
        %ge3A_292 = vector.broadcast %ge3A_291 : i32 to vector<16xi32>
        %ge3A_293 = arith.cmpi sge, %sub3A_288, %ge3A_292 : vector<16xi32>
        %lt3A_294 = arith.constant 65536 : i32
        %lt3A_295 = vector.broadcast %lt3A_294 : i32 to vector<16xi32>
        %lt3A_296 = arith.cmpi slt, %sub3A_288, %lt3A_295 : vector<16xi32>
        %and3A_297 = arith.andi %ge3A_293, %lt3A_296 : vector<16xi1>
        %unique3A_298, %unique3A_299 = tpu.scan_count mask(%and3A_297 : vector<16xi1>) value(%sub3A_288 : vector<16xi32>) : vector<16xi1>, vector<16xi32>
        %mul3A_300 = arith.constant 5 : i32
        %mul3A_301 = arith.muli %scan3A_277, %mul3A_300 : i32
        %add3A_302 = arith.constant 1 : i32
        %add3A_303 = arith.addi %mul3A_301, %add3A_302 : i32
        %mul3A_304 = arith.constant 16 : i32
        %mul3A_305 = arith.muli %add3A_303, %mul3A_304 : i32
        %get3A_306 = arith.index_cast %mul3A_305 : i32 to index
        %get3A_307 = tpu.vector_load %arg7[%get3A_306] {strides = array<i32>} : memref<10000xi32, #tpu.memory_space<vmem>>, vector<16xi32>,
        %sub3A_308 = vector.broadcast %mul3A_0 : i32 to vector<16xi32>
        %sub3A_309 = arith.subi %get3A_307, %sub3A_308 : vector<16xi32>
        %get3A_310 = arith.index_cast %mul3A_305 : i32 to index
        %get3A_311 = tpu.vector_load %arg9[%get3A_310] {strides = array<i32>} : memref<10000xf32, #tpu.memory_space<vmem>>, vector<16xf32>,
        %ge3A_312 = arith.constant 0 : i32
        %ge3A_313 = vector.broadcast %ge3A_312 : i32 to vector<16xi32>
        %ge3A_314 = arith.cmpi sge, %sub3A_309, %ge3A_313 : vector<16xi32>
        %lt3A_315 = arith.constant 65536 : i32
        %lt3A_316 = vector.broadcast %lt3A_315 : i32 to vector<16xi32>
        %lt3A_317 = arith.cmpi slt, %sub3A_309, %lt3A_316 : vector<16xi32>
        %and3A_318 = arith.andi %ge3A_314, %lt3A_317 : vector<16xi1>
        %unique3A_319, %unique3A_320 = tpu.scan_count mask(%and3A_318 : vector<16xi1>) value(%sub3A_309 : vector<16xi32>) : vector<16xi1>, vector<16xi32>
        %mul3A_321 = arith.constant 5 : i32
        %mul3A_322 = arith.muli %scan3A_277, %mul3A_321 : i32
        %add3A_323 = arith.constant 2 : i32
        %add3A_324 = arith.addi %mul3A_322, %add3A_323 : i32
        %mul3A_325 = arith.constant 16 : i32
        %mul3A_326 = arith.muli %add3A_324, %mul3A_325 : i32
        %get3A_327 = arith.index_cast %mul3A_326 : i32 to index
        %get3A_328 = tpu.vector_load %arg7[%get3A_327] {strides = array<i32>} : memref<10000xi32, #tpu.memory_space<vmem>>, vector<16xi32>,
        %sub3A_329 = vector.broadcast %mul3A_0 : i32 to vector<16xi32>
        %sub3A_330 = arith.subi %get3A_328, %sub3A_329 : vector<16xi32>
        %get3A_331 = arith.index_cast %mul3A_326 : i32 to index
        %get3A_332 = tpu.vector_load %arg9[%get3A_331] {strides = array<i32>} : memref<10000xf32, #tpu.memory_space<vmem>>, vector<16xf32>,
        %ge3A_333 = arith.constant 0 : i32
        %ge3A_334 = vector.broadcast %ge3A_333 : i32 to vector<16xi32>
        %ge3A_335 = arith.cmpi sge, %sub3A_330, %ge3A_334 : vector<16xi32>
        %lt3A_336 = arith.constant 65536 : i32
        %lt3A_337 = vector.broadcast %lt3A_336 : i32 to vector<16xi32>
        %lt3A_338 = arith.cmpi slt, %sub3A_330, %lt3A_337 : vector<16xi32>
        %and3A_339 = arith.andi %ge3A_335, %lt3A_338 : vector<16xi1>
        %unique3A_340, %unique3A_341 = tpu.scan_count mask(%and3A_339 : vector<16xi1>) value(%sub3A_330 : vector<16xi32>) : vector<16xi1>, vector<16xi32>
        %mul3A_342 = arith.constant 5 : i32
        %mul3A_343 = arith.muli %scan3A_277, %mul3A_342 : i32
        %add3A_344 = arith.constant 3 : i32
        %add3A_345 = arith.addi %mul3A_343, %add3A_344 : i32
        %mul3A_346 = arith.constant 16 : i32
        %mul3A_347 = arith.muli %add3A_345, %mul3A_346 : i32
        %get3A_348 = arith.index_cast %mul3A_347 : i32 to index
        %get3A_349 = tpu.vector_load %arg7[%get3A_348] {strides = array<i32>} : memref<10000xi32, #tpu.memory_space<vmem>>, vector<16xi32>,
        %sub3A_350 = vector.broadcast %mul3A_0 : i32 to vector<16xi32>
        %sub3A_351 = arith.subi %get3A_349, %sub3A_350 : vector<16xi32>
        %get3A_352 = arith.index_cast %mul3A_347 : i32 to index
        %get3A_353 = tpu.vector_load %arg9[%get3A_352] {strides = array<i32>} : memref<10000xf32, #tpu.memory_space<vmem>>, vector<16xf32>,
        %ge3A_354 = arith.constant 0 : i32
        %ge3A_355 = vector.broadcast %ge3A_354 : i32 to vector<16xi32>
        %ge3A_356 = arith.cmpi sge, %sub3A_351, %ge3A_355 : vector<16xi32>
        %lt3A_357 = arith.constant 65536 : i32
        %lt3A_358 = vector.broadcast %lt3A_357 : i32 to vector<16xi32>
        %lt3A_359 = arith.cmpi slt, %sub3A_351, %lt3A_358 : vector<16xi32>
        %and3A_360 = arith.andi %ge3A_356, %lt3A_359 : vector<16xi1>
        %unique3A_361, %unique3A_362 = tpu.scan_count mask(%and3A_360 : vector<16xi1>) value(%sub3A_351 : vector<16xi32>) : vector<16xi1>, vector<16xi32>
        %mul3A_363 = arith.constant 5 : i32
        %mul3A_364 = arith.muli %scan3A_277, %mul3A_363 : i32
        %add3A_365 = arith.constant 4 : i32
        %add3A_366 = arith.addi %mul3A_364, %add3A_365 : i32
        %mul3A_367 = arith.constant 16 : i32
        %mul3A_368 = arith.muli %add3A_366, %mul3A_367 : i32
        %get3A_369 = arith.index_cast %mul3A_368 : i32 to index
        %get3A_370 = tpu.vector_load %arg7[%get3A_369] {strides = array<i32>} : memref<10000xi32, #tpu.memory_space<vmem>>, vector<16xi32>,
        %sub3A_371 = vector.broadcast %mul3A_0 : i32 to vector<16xi32>
        %sub3A_372 = arith.subi %get3A_370, %sub3A_371 : vector<16xi32>
        %get3A_373 = arith.index_cast %mul3A_368 : i32 to index
        %get3A_374 = tpu.vector_load %arg9[%get3A_373] {strides = array<i32>} : memref<10000xf32, #tpu.memory_space<vmem>>, vector<16xf32>,
        %ge3A_375 = arith.constant 0 : i32
        %ge3A_376 = vector.broadcast %ge3A_375 : i32 to vector<16xi32>
        %ge3A_377 = arith.cmpi sge, %sub3A_372, %ge3A_376 : vector<16xi32>
        %lt3A_378 = arith.constant 65536 : i32
        %lt3A_379 = vector.broadcast %lt3A_378 : i32 to vector<16xi32>
        %lt3A_380 = arith.cmpi slt, %sub3A_372, %lt3A_379 : vector<16xi32>
        %and3A_381 = arith.andi %ge3A_377, %lt3A_380 : vector<16xi1>
        %unique3A_382, %unique3A_383 = tpu.scan_count mask(%and3A_381 : vector<16xi1>) value(%sub3A_372 : vector<16xi32>) : vector<16xi1>, vector<16xi32>
        tpu.vector_store_idx %arg5[%sub3A_288], %get3A_290 masked %unique3A_298 : memref<65536xf32, #tpu.memory_space<vmem>>[vector<16xi32>], vector<16xf32>, vector<16xi1>
        tpu.vector_store_idx %arg5[%sub3A_309], %get3A_311 masked %unique3A_319 : memref<65536xf32, #tpu.memory_space<vmem>>[vector<16xi32>], vector<16xf32>, vector<16xi1>
        tpu.vector_store_idx %arg5[%sub3A_330], %get3A_332 masked %unique3A_340 : memref<65536xf32, #tpu.memory_space<vmem>>[vector<16xi32>], vector<16xf32>, vector<16xi1>
        tpu.vector_store_idx %arg5[%sub3A_351], %get3A_353 masked %unique3A_361 : memref<65536xf32, #tpu.memory_space<vmem>>[vector<16xi32>], vector<16xf32>, vector<16xi1>
        tpu.vector_store_idx %arg5[%sub3A_372], %get3A_374 masked %unique3A_382 : memref<65536xf32, #tpu.memory_space<vmem>>[vector<16xi32>], vector<16xf32>, vector<16xi1>
        %scan3A_384 = arith.constant 0 : i32
        %scan3A_385 = arith.constant 1 : i32
        %scan3A_386 = arith.addi %scan3A_277, %scan3A_385 : i32
        %mul3A_387 = arith.constant 5 : i32
        %mul3A_388 = arith.muli %scan3A_386, %mul3A_387 : i32
        %add3A_389 = arith.constant 0 : i32
        %add3A_390 = arith.addi %mul3A_388, %add3A_389 : i32
        %mul3A_391 = arith.constant 16 : i32
        %mul3A_392 = arith.muli %add3A_390, %mul3A_391 : i32
        %get3A_393 = arith.index_cast %mul3A_392 : i32 to index
        %get3A_394 = tpu.vector_load %arg7[%get3A_393] {strides = array<i32>} : memref<10000xi32, #tpu.memory_space<vmem>>, vector<16xi32>,
        %sub3A_395 = vector.broadcast %mul3A_0 : i32 to vector<16xi32>
        %sub3A_396 = arith.subi %get3A_394, %sub3A_395 : vector<16xi32>
        %get3A_397 = arith.index_cast %mul3A_392 : i32 to index
        %get3A_398 = tpu.vector_load %arg9[%get3A_397] {strides = array<i32>} : memref<10000xf32, #tpu.memory_space<vmem>>, vector<16xf32>,
        %ge3A_399 = arith.constant 0 : i32
        %ge3A_400 = vector.broadcast %ge3A_399 : i32 to vector<16xi32>
        %ge3A_401 = arith.cmpi sge, %sub3A_396, %ge3A_400 : vector<16xi32>
        %lt3A_402 = arith.constant 65536 : i32
        %lt3A_403 = vector.broadcast %lt3A_402 : i32 to vector<16xi32>
        %lt3A_404 = arith.cmpi slt, %sub3A_396, %lt3A_403 : vector<16xi32>
        %and3A_405 = arith.andi %ge3A_401, %lt3A_404 : vector<16xi1>
        %unique3A_406, %unique3A_407 = tpu.scan_count mask(%and3A_405 : vector<16xi1>) value(%sub3A_396 : vector<16xi32>) : vector<16xi1>, vector<16xi32>
        %mul3A_408 = arith.constant 5 : i32
        %mul3A_409 = arith.muli %scan3A_386, %mul3A_408 : i32
        %add3A_410 = arith.constant 1 : i32
        %add3A_411 = arith.addi %mul3A_409, %add3A_410 : i32
        %mul3A_412 = arith.constant 16 : i32
        %mul3A_413 = arith.muli %add3A_411, %mul3A_412 : i32
        %get3A_414 = arith.index_cast %mul3A_413 : i32 to index
        %get3A_415 = tpu.vector_load %arg7[%get3A_414] {strides = array<i32>} : memref<10000xi32, #tpu.memory_space<vmem>>, vector<16xi32>,
        %sub3A_416 = vector.broadcast %mul3A_0 : i32 to vector<16xi32>
        %sub3A_417 = arith.subi %get3A_415, %sub3A_416 : vector<16xi32>
        %get3A_418 = arith.index_cast %mul3A_413 : i32 to index
        %get3A_419 = tpu.vector_load %arg9[%get3A_418] {strides = array<i32>} : memref<10000xf32, #tpu.memory_space<vmem>>, vector<16xf32>,
        %ge3A_420 = arith.constant 0 : i32
        %ge3A_421 = vector.broadcast %ge3A_420 : i32 to vector<16xi32>
        %ge3A_422 = arith.cmpi sge, %sub3A_417, %ge3A_421 : vector<16xi32>
        %lt3A_423 = arith.constant 65536 : i32
        %lt3A_424 = vector.broadcast %lt3A_423 : i32 to vector<16xi32>
        %lt3A_425 = arith.cmpi slt, %sub3A_417, %lt3A_424 : vector<16xi32>
        %and3A_426 = arith.andi %ge3A_422, %lt3A_425 : vector<16xi1>
        %unique3A_427, %unique3A_428 = tpu.scan_count mask(%and3A_426 : vector<16xi1>) value(%sub3A_417 : vector<16xi32>) : vector<16xi1>, vector<16xi32>
        %mul3A_429 = arith.constant 5 : i32
        %mul3A_430 = arith.muli %scan3A_386, %mul3A_429 : i32
        %add3A_431 = arith.constant 2 : i32
        %add3A_432 = arith.addi %mul3A_430, %add3A_431 : i32
        %mul3A_433 = arith.constant 16 : i32
        %mul3A_434 = arith.muli %add3A_432, %mul3A_433 : i32
        %get3A_435 = arith.index_cast %mul3A_434 : i32 to index
        %get3A_436 = tpu.vector_load %arg7[%get3A_435] {strides = array<i32>} : memref<10000xi32, #tpu.memory_space<vmem>>, vector<16xi32>,
        %sub3A_437 = vector.broadcast %mul3A_0 : i32 to vector<16xi32>
        %sub3A_438 = arith.subi %get3A_436, %sub3A_437 : vector<16xi32>
        %get3A_439 = arith.index_cast %mul3A_434 : i32 to index
        %get3A_440 = tpu.vector_load %arg9[%get3A_439] {strides = array<i32>} : memref<10000xf32, #tpu.memory_space<vmem>>, vector<16xf32>,
        %ge3A_441 = arith.constant 0 : i32
        %ge3A_442 = vector.broadcast %ge3A_441 : i32 to vector<16xi32>
        %ge3A_443 = arith.cmpi sge, %sub3A_438, %ge3A_442 : vector<16xi32>
        %lt3A_444 = arith.constant 65536 : i32
        %lt3A_445 = vector.broadcast %lt3A_444 : i32 to vector<16xi32>
        %lt3A_446 = arith.cmpi slt, %sub3A_438, %lt3A_445 : vector<16xi32>
        %and3A_447 = arith.andi %ge3A_443, %lt3A_446 : vector<16xi1>
        %unique3A_448, %unique3A_449 = tpu.scan_count mask(%and3A_447 : vector<16xi1>) value(%sub3A_438 : vector<16xi32>) : vector<16xi1>, vector<16xi32>
        %mul3A_450 = arith.constant 5 : i32
        %mul3A_451 = arith.muli %scan3A_386, %mul3A_450 : i32
        %add3A_452 = arith.constant 3 : i32
        %add3A_453 = arith.addi %mul3A_451, %add3A_452 : i32
        %mul3A_454 = arith.constant 16 : i32
        %mul3A_455 = arith.muli %add3A_453, %mul3A_454 : i32
        %get3A_456 = arith.index_cast %mul3A_455 : i32 to index
        %get3A_457 = tpu.vector_load %arg7[%get3A_456] {strides = array<i32>} : memref<10000xi32, #tpu.memory_space<vmem>>, vector<16xi32>,
        %sub3A_458 = vector.broadcast %mul3A_0 : i32 to vector<16xi32>
        %sub3A_459 = arith.subi %get3A_457, %sub3A_458 : vector<16xi32>
        %get3A_460 = arith.index_cast %mul3A_455 : i32 to index
        %get3A_461 = tpu.vector_load %arg9[%get3A_460] {strides = array<i32>} : memref<10000xf32, #tpu.memory_space<vmem>>, vector<16xf32>,
        %ge3A_462 = arith.constant 0 : i32
        %ge3A_463 = vector.broadcast %ge3A_462 : i32 to vector<16xi32>
        %ge3A_464 = arith.cmpi sge, %sub3A_459, %ge3A_463 : vector<16xi32>
        %lt3A_465 = arith.constant 65536 : i32
        %lt3A_466 = vector.broadcast %lt3A_465 : i32 to vector<16xi32>
        %lt3A_467 = arith.cmpi slt, %sub3A_459, %lt3A_466 : vector<16xi32>
        %and3A_468 = arith.andi %ge3A_464, %lt3A_467 : vector<16xi1>
        %unique3A_469, %unique3A_470 = tpu.scan_count mask(%and3A_468 : vector<16xi1>) value(%sub3A_459 : vector<16xi32>) : vector<16xi1>, vector<16xi32>
        %mul3A_471 = arith.constant 5 : i32
        %mul3A_472 = arith.muli %scan3A_386, %mul3A_471 : i32
        %add3A_473 = arith.constant 4 : i32
        %add3A_474 = arith.addi %mul3A_472, %add3A_473 : i32
        %mul3A_475 = arith.constant 16 : i32
        %mul3A_476 = arith.muli %add3A_474, %mul3A_475 : i32
        %get3A_477 = arith.index_cast %mul3A_476 : i32 to index
        %get3A_478 = tpu.vector_load %arg7[%get3A_477] {strides = array<i32>} : memref<10000xi32, #tpu.memory_space<vmem>>, vector<16xi32>,
        %sub3A_479 = vector.broadcast %mul3A_0 : i32 to vector<16xi32>
        %sub3A_480 = arith.subi %get3A_478, %sub3A_479 : vector<16xi32>
        %get3A_481 = arith.index_cast %mul3A_476 : i32 to index
        %get3A_482 = tpu.vector_load %arg9[%get3A_481] {strides = array<i32>} : memref<10000xf32, #tpu.memory_space<vmem>>, vector<16xf32>,
        %ge3A_483 = arith.constant 0 : i32
        %ge3A_484 = vector.broadcast %ge3A_483 : i32 to vector<16xi32>
        %ge3A_485 = arith.cmpi sge, %sub3A_480, %ge3A_484 : vector<16xi32>
        %lt3A_486 = arith.constant 65536 : i32
        %lt3A_487 = vector.broadcast %lt3A_486 : i32 to vector<16xi32>
        %lt3A_488 = arith.cmpi slt, %sub3A_480, %lt3A_487 : vector<16xi32>
        %and3A_489 = arith.andi %ge3A_485, %lt3A_488 : vector<16xi1>
        %unique3A_490, %unique3A_491 = tpu.scan_count mask(%and3A_489 : vector<16xi1>) value(%sub3A_480 : vector<16xi32>) : vector<16xi1>, vector<16xi32>
        tpu.vector_store_idx %arg5[%sub3A_396], %get3A_398 masked %unique3A_406 : memref<65536xf32, #tpu.memory_space<vmem>>[vector<16xi32>], vector<16xf32>, vector<16xi1>
        tpu.vector_store_idx %arg5[%sub3A_417], %get3A_419 masked %unique3A_427 : memref<65536xf32, #tpu.memory_space<vmem>>[vector<16xi32>], vector<16xf32>, vector<16xi1>
        tpu.vector_store_idx %arg5[%sub3A_438], %get3A_440 masked %unique3A_448 : memref<65536xf32, #tpu.memory_space<vmem>>[vector<16xi32>], vector<16xf32>, vector<16xi1>
        tpu.vector_store_idx %arg5[%sub3A_459], %get3A_461 masked %unique3A_469 : memref<65536xf32, #tpu.memory_space<vmem>>[vector<16xi32>], vector<16xf32>, vector<16xi1>
        tpu.vector_store_idx %arg5[%sub3A_480], %get3A_482 masked %unique3A_490 : memref<65536xf32, #tpu.memory_space<vmem>>[vector<16xi32>], vector<16xf32>, vector<16xi1>
        %scan3A_492 = arith.constant 0 : i32
        scf.yield %scan3A_492 : i32
      }
      %scan3A_162 = arith.constant 124 : i32
      %scan3A_163 = arith.addi %scan3A_157, %scan3A_162 : i32
      %mul3A_164 = arith.constant 5 : i32
      %mul3A_165 = arith.muli %scan3A_163, %mul3A_164 : i32
      %add3A_166 = arith.constant 0 : i32
      %add3A_167 = arith.addi %mul3A_165, %add3A_166 : i32
      %mul3A_168 = arith.constant 16 : i32
      %mul3A_169 = arith.muli %add3A_167, %mul3A_168 : i32
      %get3A_170 = arith.index_cast %mul3A_169 : i32 to index
      %get3A_171 = tpu.vector_load %arg7[%get3A_170] {strides = array<i32>} : memref<10000xi32, #tpu.memory_space<vmem>>, vector<16xi32>,
      %sub3A_172 = vector.broadcast %mul3A_0 : i32 to vector<16xi32>
      %sub3A_173 = arith.subi %get3A_171, %sub3A_172 : vector<16xi32>
      %get3A_174 = arith.index_cast %mul3A_169 : i32 to index
      %get3A_175 = tpu.vector_load %arg9[%get3A_174] {strides = array<i32>} : memref<10000xf32, #tpu.memory_space<vmem>>, vector<16xf32>,
      %ge3A_176 = arith.constant 0 : i32
      %ge3A_177 = vector.broadcast %ge3A_176 : i32 to vector<16xi32>
      %ge3A_178 = arith.cmpi sge, %sub3A_173, %ge3A_177 : vector<16xi32>
      %lt3A_179 = arith.constant 65536 : i32
      %lt3A_180 = vector.broadcast %lt3A_179 : i32 to vector<16xi32>
      %lt3A_181 = arith.cmpi slt, %sub3A_173, %lt3A_180 : vector<16xi32>
      %and3A_182 = arith.andi %ge3A_178, %lt3A_181 : vector<16xi1>
      %unique3A_183, %unique3A_184 = tpu.scan_count mask(%and3A_182 : vector<16xi1>) value(%sub3A_173 : vector<16xi32>) : vector<16xi1>, vector<16xi32>
      %mul3A_185 = arith.constant 5 : i32
      %mul3A_186 = arith.muli %scan3A_163, %mul3A_185 : i32
      %add3A_187 = arith.constant 1 : i32
      %add3A_188 = arith.addi %mul3A_186, %add3A_187 : i32
      %mul3A_189 = arith.constant 16 : i32
      %mul3A_190 = arith.muli %add3A_188, %mul3A_189 : i32
      %get3A_191 = arith.index_cast %mul3A_190 : i32 to index
      %get3A_192 = tpu.vector_load %arg7[%get3A_191] {strides = array<i32>} : memref<10000xi32, #tpu.memory_space<vmem>>, vector<16xi32>,
      %sub3A_193 = vector.broadcast %mul3A_0 : i32 to vector<16xi32>
      %sub3A_194 = arith.subi %get3A_192, %sub3A_193 : vector<16xi32>
      %get3A_195 = arith.index_cast %mul3A_190 : i32 to index
      %get3A_196 = tpu.vector_load %arg9[%get3A_195] {strides = array<i32>} : memref<10000xf32, #tpu.memory_space<vmem>>, vector<16xf32>,
      %ge3A_197 = arith.constant 0 : i32
      %ge3A_198 = vector.broadcast %ge3A_197 : i32 to vector<16xi32>
      %ge3A_199 = arith.cmpi sge, %sub3A_194, %ge3A_198 : vector<16xi32>
      %lt3A_200 = arith.constant 65536 : i32
      %lt3A_201 = vector.broadcast %lt3A_200 : i32 to vector<16xi32>
      %lt3A_202 = arith.cmpi slt, %sub3A_194, %lt3A_201 : vector<16xi32>
      %and3A_203 = arith.andi %ge3A_199, %lt3A_202 : vector<16xi1>
      %unique3A_204, %unique3A_205 = tpu.scan_count mask(%and3A_203 : vector<16xi1>) value(%sub3A_194 : vector<16xi32>) : vector<16xi1>, vector<16xi32>
      %mul3A_206 = arith.constant 5 : i32
      %mul3A_207 = arith.muli %scan3A_163, %mul3A_206 : i32
      %add3A_208 = arith.constant 2 : i32
      %add3A_209 = arith.addi %mul3A_207, %add3A_208 : i32
      %mul3A_210 = arith.constant 16 : i32
      %mul3A_211 = arith.muli %add3A_209, %mul3A_210 : i32
      %get3A_212 = arith.index_cast %mul3A_211 : i32 to index
      %get3A_213 = tpu.vector_load %arg7[%get3A_212] {strides = array<i32>} : memref<10000xi32, #tpu.memory_space<vmem>>, vector<16xi32>,
      %sub3A_214 = vector.broadcast %mul3A_0 : i32 to vector<16xi32>
      %sub3A_215 = arith.subi %get3A_213, %sub3A_214 : vector<16xi32>
      %get3A_216 = arith.index_cast %mul3A_211 : i32 to index
      %get3A_217 = tpu.vector_load %arg9[%get3A_216] {strides = array<i32>} : memref<10000xf32, #tpu.memory_space<vmem>>, vector<16xf32>,
      %ge3A_218 = arith.constant 0 : i32
      %ge3A_219 = vector.broadcast %ge3A_218 : i32 to vector<16xi32>
      %ge3A_220 = arith.cmpi sge, %sub3A_215, %ge3A_219 : vector<16xi32>
      %lt3A_221 = arith.constant 65536 : i32
      %lt3A_222 = vector.broadcast %lt3A_221 : i32 to vector<16xi32>
      %lt3A_223 = arith.cmpi slt, %sub3A_215, %lt3A_222 : vector<16xi32>
      %and3A_224 = arith.andi %ge3A_220, %lt3A_223 : vector<16xi1>
      %unique3A_225, %unique3A_226 = tpu.scan_count mask(%and3A_224 : vector<16xi1>) value(%sub3A_215 : vector<16xi32>) : vector<16xi1>, vector<16xi32>
      %mul3A_227 = arith.constant 5 : i32
      %mul3A_228 = arith.muli %scan3A_163, %mul3A_227 : i32
      %add3A_229 = arith.constant 3 : i32
      %add3A_230 = arith.addi %mul3A_228, %add3A_229 : i32
      %mul3A_231 = arith.constant 16 : i32
      %mul3A_232 = arith.muli %add3A_230, %mul3A_231 : i32
      %get3A_233 = arith.index_cast %mul3A_232 : i32 to index
      %get3A_234 = tpu.vector_load %arg7[%get3A_233] {strides = array<i32>} : memref<10000xi32, #tpu.memory_space<vmem>>, vector<16xi32>,
      %sub3A_235 = vector.broadcast %mul3A_0 : i32 to vector<16xi32>
      %sub3A_236 = arith.subi %get3A_234, %sub3A_235 : vector<16xi32>
      %get3A_237 = arith.index_cast %mul3A_232 : i32 to index
      %get3A_238 = tpu.vector_load %arg9[%get3A_237] {strides = array<i32>} : memref<10000xf32, #tpu.memory_space<vmem>>, vector<16xf32>,
      %ge3A_239 = arith.constant 0 : i32
      %ge3A_240 = vector.broadcast %ge3A_239 : i32 to vector<16xi32>
      %ge3A_241 = arith.cmpi sge, %sub3A_236, %ge3A_240 : vector<16xi32>
      %lt3A_242 = arith.constant 65536 : i32
      %lt3A_243 = vector.broadcast %lt3A_242 : i32 to vector<16xi32>
      %lt3A_244 = arith.cmpi slt, %sub3A_236, %lt3A_243 : vector<16xi32>
      %and3A_245 = arith.andi %ge3A_241, %lt3A_244 : vector<16xi1>
      %unique3A_246, %unique3A_247 = tpu.scan_count mask(%and3A_245 : vector<16xi1>) value(%sub3A_236 : vector<16xi32>) : vector<16xi1>, vector<16xi32>
      %mul3A_248 = arith.constant 5 : i32
      %mul3A_249 = arith.muli %scan3A_163, %mul3A_248 : i32
      %add3A_250 = arith.constant 4 : i32
      %add3A_251 = arith.addi %mul3A_249, %add3A_250 : i32
      %mul3A_252 = arith.constant 16 : i32
      %mul3A_253 = arith.muli %add3A_251, %mul3A_252 : i32
      %get3A_254 = arith.index_cast %mul3A_253 : i32 to index
      %get3A_255 = tpu.vector_load %arg7[%get3A_254] {strides = array<i32>} : memref<10000xi32, #tpu.memory_space<vmem>>, vector<16xi32>,
      %sub3A_256 = vector.broadcast %mul3A_0 : i32 to vector<16xi32>
      %sub3A_257 = arith.subi %get3A_255, %sub3A_256 : vector<16xi32>
      %get3A_258 = arith.index_cast %mul3A_253 : i32 to index
      %get3A_259 = tpu.vector_load %arg9[%get3A_258] {strides = array<i32>} : memref<10000xf32, #tpu.memory_space<vmem>>, vector<16xf32>,
      %ge3A_260 = arith.constant 0 : i32
      %ge3A_261 = vector.broadcast %ge3A_260 : i32 to vector<16xi32>
      %ge3A_262 = arith.cmpi sge, %sub3A_257, %ge3A_261 : vector<16xi32>
      %lt3A_263 = arith.constant 65536 : i32
      %lt3A_264 = vector.broadcast %lt3A_263 : i32 to vector<16xi32>
      %lt3A_265 = arith.cmpi slt, %sub3A_257, %lt3A_264 : vector<16xi32>
      %and3A_266 = arith.andi %ge3A_262, %lt3A_265 : vector<16xi1>
      %unique3A_267, %unique3A_268 = tpu.scan_count mask(%and3A_266 : vector<16xi1>) value(%sub3A_257 : vector<16xi32>) : vector<16xi1>, vector<16xi32>
      tpu.vector_store_idx %arg5[%sub3A_173], %get3A_175 masked %unique3A_183 : memref<65536xf32, #tpu.memory_space<vmem>>[vector<16xi32>], vector<16xf32>, vector<16xi1>
      tpu.vector_store_idx %arg5[%sub3A_194], %get3A_196 masked %unique3A_204 : memref<65536xf32, #tpu.memory_space<vmem>>[vector<16xi32>], vector<16xf32>, vector<16xi1>
      tpu.vector_store_idx %arg5[%sub3A_215], %get3A_217 masked %unique3A_225 : memref<65536xf32, #tpu.memory_space<vmem>>[vector<16xi32>], vector<16xf32>, vector<16xi1>
      tpu.vector_store_idx %arg5[%sub3A_236], %get3A_238 masked %unique3A_246 : memref<65536xf32, #tpu.memory_space<vmem>>[vector<16xi32>], vector<16xf32>, vector<16xi1>
      tpu.vector_store_idx %arg5[%sub3A_257], %get3A_259 masked %unique3A_267 : memref<65536xf32, #tpu.memory_space<vmem>>[vector<16xi32>], vector<16xf32>, vector<16xi1>
      %scan3A_269 = arith.constant 0 : i32
      %scan3A_270 = arith.constant 125 : i32
      %lt3A_271 = arith.constant 24 : i32
      %lt3A_272 = arith.cmpi slt, %scan3A_27, %lt3A_271 : i32
      %convert_element_type3A_273 = arith.extui %lt3A_272 : i1 to i32
      %cond3A_274 = arith.constant 0 : i32
      %cond3A_275 = arith.cmpi ne, %convert_element_type3A_273, %cond3A_274 : i32
      scf.if %cond3A_275 {
        %mul3A_277 = arith.constant 2 : i32
        %mul3A_278 = arith.muli %mul3A_277, %scan3A_27 : i32
        %add3A_279 = arith.constant 3 : i32
        %add3A_280 = arith.addi %mul3A_278, %add3A_279 : i32
        %mul3A_281 = arith.constant 10000 : i32
        %mul3A_282 = arith.muli %add3A_280, %mul3A_281 : i32
        %add3A_283 = arith.addi %mul3A_2, %mul3A_282 : i32
        %dma_start3A_284 = tpu.memref_slice %arg2[%add3A_283] : memref<1000000xi32, #tpu.memory_space<hbm>> -> memref<10000xi32, #tpu.memory_space<hbm>>
        %dma_start3A_285 = tpu.memref_slice %arg2[%add3A_283] : memref<1000000xi32, #tpu.memory_space<hbm>> -> memref<10000xi32, #tpu.memory_space<hbm>>
        tpu.enqueue_dma source(%dma_start3A_285 : memref<10000xi32, #tpu.memory_space<hbm>>) target(%arg7 : memref<10000xi32, #tpu.memory_space<vmem>>) target_semaphore(%arg11 : memref<!tpu.dma_semaphore, #tpu.memory_space<semaphore_mem>>)
        %dma_start3A_286 = tpu.memref_slice %arg3[%add3A_283] : memref<1000000xf32, #tpu.memory_space<hbm>> -> memref<10000xf32, #tpu.memory_space<hbm>>
        %dma_start3A_287 = tpu.memref_slice %arg3[%add3A_283] : memref<1000000xf32, #tpu.memory_space<hbm>> -> memref<10000xf32, #tpu.memory_space<hbm>>
        tpu.enqueue_dma source(%dma_start3A_287 : memref<10000xf32, #tpu.memory_space<hbm>>) target(%arg9 : memref<10000xf32, #tpu.memory_space<vmem>>) target_semaphore(%arg11 : memref<!tpu.dma_semaphore, #tpu.memory_space<semaphore_mem>>)
      } else {
      }
      %scan3A_276 = arith.constant 0 : i32
      scf.yield %scan3A_276 : i32
    }
    %scan3A_26 = arith.constant 25 : i32
    "tpu.region"() ({
      %run_scoped3A = tpu.sem_alloc : memref<!tpu.dma_semaphore, #tpu.memory_space<semaphore_mem>>
      %dma_start3A_27 = arith.constant 0 : i32
      %dma_start3A_28 = tpu.memref_slice %arg4[%arg0, %arg1, %dma_start3A_27] : memref<2x16x65536xf32, #tpu.memory_space<hbm>> -> memref<1x1x65536xf32, #tpu.memory_space<hbm>>
      %dma_start3A_29 = tpu.memref_squeeze %dma_start3A_28 : memref<1x1x65536xf32, #tpu.memory_space<hbm>> -> memref<65536xf32, #tpu.memory_space<hbm>>
      %dma_start3A_30 = arith.constant 0 : i32
      %dma_start3A_31 = tpu.memref_slice %arg4[%arg0, %arg1, %dma_start3A_30] : memref<2x16x65536xf32, #tpu.memory_space<hbm>> -> memref<1x1x65536xf32, #tpu.memory_space<hbm>>
      %dma_start3A_32 = tpu.memref_squeeze %dma_start3A_31 : memref<1x1x65536xf32, #tpu.memory_space<hbm>> -> memref<65536xf32, #tpu.memory_space<hbm>>
      tpu.enqueue_dma source(%arg5 : memref<65536xf32, #tpu.memory_space<vmem>>) target(%dma_start3A_32 : memref<65536xf32, #tpu.memory_space<hbm>>) target_semaphore(%run_scoped3A : memref<!tpu.dma_semaphore, #tpu.memory_space<semaphore_mem>>)
      %dma_wait3A = arith.constant 0 : i32
      %dma_wait3A_33 = tpu.memref_slice %arg4[%arg0, %arg1, %dma_wait3A] : memref<2x16x65536xf32, #tpu.memory_space<hbm>> -> memref<1x1x65536xf32, #tpu.memory_space<hbm>>
      %dma_wait3A_34 = tpu.memref_squeeze %dma_wait3A_33 : memref<1x1x65536xf32, #tpu.memory_space<hbm>> -> memref<65536xf32, #tpu.memory_space<hbm>>
      %dma_wait3A_35 = arith.constant 0 : i32
      %dma_wait3A_36 = tpu.memref_slice %arg4[%arg0, %arg1, %dma_wait3A_35] : memref<2x16x65536xf32, #tpu.memory_space<hbm>> -> memref<1x1x65536xf32, #tpu.memory_space<hbm>>
      %dma_wait3A_37 = tpu.memref_squeeze %dma_wait3A_36 : memref<1x1x65536xf32, #tpu.memory_space<hbm>> -> memref<65536xf32, #tpu.memory_space<hbm>>
      tpu.wait_dma2 semaphore(%run_scoped3A : memref<!tpu.dma_semaphore, #tpu.memory_space<semaphore_mem>>) src(%arg5 : memref<65536xf32, #tpu.memory_space<vmem>>) dst(%dma_wait3A_37 : memref<65536xf32, #tpu.memory_space<hbm>>)
      tpu.yield
    }) : () -> ()
    return
  }
}

module attributes {stable_mosaic.version = 14 : i64} {
  func.func @_conv_body(%arg0: i32, %arg1: memref<1x7x8x1000xf32, #tpu.memory_space<vmem>>, %arg2: memref<2x8x1000xi32, #tpu.memory_space<vmem>>, %arg3: memref<18x7xf32, #tpu.memory_space<vmem>>, %arg4: memref<18x1xf32, #tpu.memory_space<vmem>>, %arg5: memref<36x18xf32, #tpu.memory_space<vmem>>, %arg6: memref<36x1xf32, #tpu.memory_space<vmem>>, %arg7: memref<36x36xf32, #tpu.memory_space<vmem>>, %arg8: memref<36x1xf32, #tpu.memory_space<vmem>>, %arg9: memref<1x36xf32, #tpu.memory_space<vmem>>, %arg10: memref<1x1xf32, #tpu.memory_space<vmem>>, %arg11: memref<8x1000xf32, #tpu.memory_space<vmem>>, %arg12: memref<8x1000xi32, #tpu.memory_space<vmem>>) attributes {dimension_semantics = [#tpu.dimension_semantics<arbitrary>], iteration_bounds = array<i64: 125>, scalar_prefetch = 0 : i64, scratch_operands = 0 : i64, tpu.core_type = #tpu.core_type<tc>, window_params = [{transform_indices = @transform_0, window_bounds = array<i64: 1, 7, 8, 1000>}, {transform_indices = @transform_1, window_bounds = array<i64: 2, 8, 1000>}, {pipeline_mode = #tpu.pipeline_mode<synchronous>, transform_indices = @transform_2, window_bounds = array<i64: 18, 7>}, {pipeline_mode = #tpu.pipeline_mode<synchronous>, transform_indices = @transform_3, window_bounds = array<i64: 18, 1>}, {pipeline_mode = #tpu.pipeline_mode<synchronous>, transform_indices = @transform_4, window_bounds = array<i64: 36, 18>}, {pipeline_mode = #tpu.pipeline_mode<synchronous>, transform_indices = @transform_5, window_bounds = array<i64: 36, 1>}, {pipeline_mode = #tpu.pipeline_mode<synchronous>, transform_indices = @transform_6, window_bounds = array<i64: 36, 36>}, {pipeline_mode = #tpu.pipeline_mode<synchronous>, transform_indices = @transform_7, window_bounds = array<i64: 36, 1>}, {pipeline_mode = #tpu.pipeline_mode<synchronous>, transform_indices = @transform_8, window_bounds = array<i64: 1, 36>}, {pipeline_mode = #tpu.pipeline_mode<synchronous>, transform_indices = @transform_9, window_bounds = array<i64: 1, 1>}, {transform_indices = @transform_10, window_bounds = array<i64: 8, 1000>}, {transform_indices = @transform_11, window_bounds = array<i64: 8, 1000>}]} {
    %get3A = arith.constant 0 : index
    %get3A_0 = arith.constant 0 : index
    %get3A_1 = arith.constant 0 : index
    %get3A_2 = arith.constant 0 : index
    %get3A_3 = vector.load %arg1[%get3A, %get3A_0, %get3A_1, %get3A_2] : memref<1x7x8x1000xf32, #tpu.memory_space<vmem>>, vector<1x7x1x1000xf32>
    %get3A_4 = vector.shape_cast %get3A_3 : vector<1x7x1x1000xf32> to vector<7x1000xf32>
    %get3A_5 = arith.constant 0 : index
    %get3A_6 = arith.constant 0 : index
    %get3A_7 = arith.constant 1 : index
    %get3A_8 = arith.constant 0 : index
    %get3A_9 = vector.load %arg1[%get3A_5, %get3A_6, %get3A_7, %get3A_8] : memref<1x7x8x1000xf32, #tpu.memory_space<vmem>>, vector<1x7x1x1000xf32>
    %get3A_10 = vector.shape_cast %get3A_9 : vector<1x7x1x1000xf32> to vector<7x1000xf32>
    %get3A_11 = arith.constant 0 : index
    %get3A_12 = arith.constant 0 : index
    %get3A_13 = arith.constant 2 : index
    %get3A_14 = arith.constant 0 : index
    %get3A_15 = vector.load %arg1[%get3A_11, %get3A_12, %get3A_13, %get3A_14] : memref<1x7x8x1000xf32, #tpu.memory_space<vmem>>, vector<1x7x1x1000xf32>
    %get3A_16 = vector.shape_cast %get3A_15 : vector<1x7x1x1000xf32> to vector<7x1000xf32>
    %get3A_17 = arith.constant 0 : index
    %get3A_18 = arith.constant 0 : index
    %get3A_19 = arith.constant 3 : index
    %get3A_20 = arith.constant 0 : index
    %get3A_21 = vector.load %arg1[%get3A_17, %get3A_18, %get3A_19, %get3A_20] : memref<1x7x8x1000xf32, #tpu.memory_space<vmem>>, vector<1x7x1x1000xf32>
    %get3A_22 = vector.shape_cast %get3A_21 : vector<1x7x1x1000xf32> to vector<7x1000xf32>
    %get3A_23 = arith.constant 0 : index
    %get3A_24 = arith.constant 0 : index
    %get3A_25 = arith.constant 4 : index
    %get3A_26 = arith.constant 0 : index
    %get3A_27 = vector.load %arg1[%get3A_23, %get3A_24, %get3A_25, %get3A_26] : memref<1x7x8x1000xf32, #tpu.memory_space<vmem>>, vector<1x7x1x1000xf32>
    %get3A_28 = vector.shape_cast %get3A_27 : vector<1x7x1x1000xf32> to vector<7x1000xf32>
    %get3A_29 = arith.constant 0 : index
    %get3A_30 = arith.constant 0 : index
    %get3A_31 = arith.constant 5 : index
    %get3A_32 = arith.constant 0 : index
    %get3A_33 = vector.load %arg1[%get3A_29, %get3A_30, %get3A_31, %get3A_32] : memref<1x7x8x1000xf32, #tpu.memory_space<vmem>>, vector<1x7x1x1000xf32>
    %get3A_34 = vector.shape_cast %get3A_33 : vector<1x7x1x1000xf32> to vector<7x1000xf32>
    %get3A_35 = arith.constant 0 : index
    %get3A_36 = arith.constant 0 : index
    %get3A_37 = arith.constant 6 : index
    %get3A_38 = arith.constant 0 : index
    %get3A_39 = vector.load %arg1[%get3A_35, %get3A_36, %get3A_37, %get3A_38] : memref<1x7x8x1000xf32, #tpu.memory_space<vmem>>, vector<1x7x1x1000xf32>
    %get3A_40 = vector.shape_cast %get3A_39 : vector<1x7x1x1000xf32> to vector<7x1000xf32>
    %get3A_41 = arith.constant 0 : index
    %get3A_42 = arith.constant 0 : index
    %get3A_43 = arith.constant 7 : index
    %get3A_44 = arith.constant 0 : index
    %get3A_45 = vector.load %arg1[%get3A_41, %get3A_42, %get3A_43, %get3A_44] : memref<1x7x8x1000xf32, #tpu.memory_space<vmem>>, vector<1x7x1x1000xf32>
    %get3A_46 = vector.shape_cast %get3A_45 : vector<1x7x1x1000xf32> to vector<7x1000xf32>
    %get3A_47 = arith.constant 0 : index
    %get3A_48 = arith.constant 0 : index
    %get3A_49 = vector.load %arg3[%get3A_47, %get3A_48] : memref<18x7xf32, #tpu.memory_space<vmem>>, vector<18x7xf32>
    %dot_general3A = arith.constant dense<0.000000e+00> : vector<18x1000xf32>
    %dot_general3A_50 = tpu.matmul %get3A_49, %get3A_4, %dot_general3A {dimension_numbers = #tpu.dot_dimension_numbers<[1], [0], [0], [1], [0, 0, 1, 1], [], []>, transpose_lhs_hint = false} : vector<18x7xf32>, vector<7x1000xf32>, vector<18x1000xf32> -> vector<18x1000xf32>
    %get3A_51 = arith.constant 0 : index
    %get3A_52 = arith.constant 0 : index
    %get3A_53 = vector.load %arg4[%get3A_51, %get3A_52] : memref<18x1xf32, #tpu.memory_space<vmem>>, vector<18x1xf32>
    %add3A = vector.broadcast %get3A_53 : vector<18x1xf32> to vector<18x1000xf32>
    %add3A_54 = arith.addf %dot_general3A_50, %add3A : vector<18x1000xf32>
    %max3A = arith.constant 0.000000e+00 : f32
    %max3A_55 = vector.broadcast %max3A : f32 to vector<18x1000xf32>
    %max3A_56 = arith.maximumf %add3A_54, %max3A_55 : vector<18x1000xf32>
    %get3A_57 = arith.constant 0 : index
    %get3A_58 = arith.constant 0 : index
    %get3A_59 = vector.load %arg3[%get3A_57, %get3A_58] : memref<18x7xf32, #tpu.memory_space<vmem>>, vector<18x7xf32>
    %dot_general3A_60 = arith.constant dense<0.000000e+00> : vector<18x1000xf32>
    %dot_general3A_61 = tpu.matmul %get3A_59, %get3A_10, %dot_general3A_60 {dimension_numbers = #tpu.dot_dimension_numbers<[1], [0], [0], [1], [0, 0, 1, 1], [], []>, transpose_lhs_hint = false} : vector<18x7xf32>, vector<7x1000xf32>, vector<18x1000xf32> -> vector<18x1000xf32>
    %get3A_62 = arith.constant 0 : index
    %get3A_63 = arith.constant 0 : index
    %get3A_64 = vector.load %arg4[%get3A_62, %get3A_63] : memref<18x1xf32, #tpu.memory_space<vmem>>, vector<18x1xf32>
    %add3A_65 = vector.broadcast %get3A_64 : vector<18x1xf32> to vector<18x1000xf32>
    %add3A_66 = arith.addf %dot_general3A_61, %add3A_65 : vector<18x1000xf32>
    %max3A_67 = arith.constant 0.000000e+00 : f32
    %max3A_68 = vector.broadcast %max3A_67 : f32 to vector<18x1000xf32>
    %max3A_69 = arith.maximumf %add3A_66, %max3A_68 : vector<18x1000xf32>
    %get3A_70 = arith.constant 0 : index
    %get3A_71 = arith.constant 0 : index
    %get3A_72 = vector.load %arg3[%get3A_70, %get3A_71] : memref<18x7xf32, #tpu.memory_space<vmem>>, vector<18x7xf32>
    %dot_general3A_73 = arith.constant dense<0.000000e+00> : vector<18x1000xf32>
    %dot_general3A_74 = tpu.matmul %get3A_72, %get3A_16, %dot_general3A_73 {dimension_numbers = #tpu.dot_dimension_numbers<[1], [0], [0], [1], [0, 0, 1, 1], [], []>, transpose_lhs_hint = false} : vector<18x7xf32>, vector<7x1000xf32>, vector<18x1000xf32> -> vector<18x1000xf32>
    %get3A_75 = arith.constant 0 : index
    %get3A_76 = arith.constant 0 : index
    %get3A_77 = vector.load %arg4[%get3A_75, %get3A_76] : memref<18x1xf32, #tpu.memory_space<vmem>>, vector<18x1xf32>
    %add3A_78 = vector.broadcast %get3A_77 : vector<18x1xf32> to vector<18x1000xf32>
    %add3A_79 = arith.addf %dot_general3A_74, %add3A_78 : vector<18x1000xf32>
    %max3A_80 = arith.constant 0.000000e+00 : f32
    %max3A_81 = vector.broadcast %max3A_80 : f32 to vector<18x1000xf32>
    %max3A_82 = arith.maximumf %add3A_79, %max3A_81 : vector<18x1000xf32>
    %get3A_83 = arith.constant 0 : index
    %get3A_84 = arith.constant 0 : index
    %get3A_85 = vector.load %arg3[%get3A_83, %get3A_84] : memref<18x7xf32, #tpu.memory_space<vmem>>, vector<18x7xf32>
    %dot_general3A_86 = arith.constant dense<0.000000e+00> : vector<18x1000xf32>
    %dot_general3A_87 = tpu.matmul %get3A_85, %get3A_22, %dot_general3A_86 {dimension_numbers = #tpu.dot_dimension_numbers<[1], [0], [0], [1], [0, 0, 1, 1], [], []>, transpose_lhs_hint = false} : vector<18x7xf32>, vector<7x1000xf32>, vector<18x1000xf32> -> vector<18x1000xf32>
    %get3A_88 = arith.constant 0 : index
    %get3A_89 = arith.constant 0 : index
    %get3A_90 = vector.load %arg4[%get3A_88, %get3A_89] : memref<18x1xf32, #tpu.memory_space<vmem>>, vector<18x1xf32>
    %add3A_91 = vector.broadcast %get3A_90 : vector<18x1xf32> to vector<18x1000xf32>
    %add3A_92 = arith.addf %dot_general3A_87, %add3A_91 : vector<18x1000xf32>
    %max3A_93 = arith.constant 0.000000e+00 : f32
    %max3A_94 = vector.broadcast %max3A_93 : f32 to vector<18x1000xf32>
    %max3A_95 = arith.maximumf %add3A_92, %max3A_94 : vector<18x1000xf32>
    %get3A_96 = arith.constant 0 : index
    %get3A_97 = arith.constant 0 : index
    %get3A_98 = vector.load %arg3[%get3A_96, %get3A_97] : memref<18x7xf32, #tpu.memory_space<vmem>>, vector<18x7xf32>
    %dot_general3A_99 = arith.constant dense<0.000000e+00> : vector<18x1000xf32>
    %dot_general3A_100 = tpu.matmul %get3A_98, %get3A_28, %dot_general3A_99 {dimension_numbers = #tpu.dot_dimension_numbers<[1], [0], [0], [1], [0, 0, 1, 1], [], []>, transpose_lhs_hint = false} : vector<18x7xf32>, vector<7x1000xf32>, vector<18x1000xf32> -> vector<18x1000xf32>
    %get3A_101 = arith.constant 0 : index
    %get3A_102 = arith.constant 0 : index
    %get3A_103 = vector.load %arg4[%get3A_101, %get3A_102] : memref<18x1xf32, #tpu.memory_space<vmem>>, vector<18x1xf32>
    %add3A_104 = vector.broadcast %get3A_103 : vector<18x1xf32> to vector<18x1000xf32>
    %add3A_105 = arith.addf %dot_general3A_100, %add3A_104 : vector<18x1000xf32>
    %max3A_106 = arith.constant 0.000000e+00 : f32
    %max3A_107 = vector.broadcast %max3A_106 : f32 to vector<18x1000xf32>
    %max3A_108 = arith.maximumf %add3A_105, %max3A_107 : vector<18x1000xf32>
    %get3A_109 = arith.constant 0 : index
    %get3A_110 = arith.constant 0 : index
    %get3A_111 = vector.load %arg3[%get3A_109, %get3A_110] : memref<18x7xf32, #tpu.memory_space<vmem>>, vector<18x7xf32>
    %dot_general3A_112 = arith.constant dense<0.000000e+00> : vector<18x1000xf32>
    %dot_general3A_113 = tpu.matmul %get3A_111, %get3A_34, %dot_general3A_112 {dimension_numbers = #tpu.dot_dimension_numbers<[1], [0], [0], [1], [0, 0, 1, 1], [], []>, transpose_lhs_hint = false} : vector<18x7xf32>, vector<7x1000xf32>, vector<18x1000xf32> -> vector<18x1000xf32>
    %get3A_114 = arith.constant 0 : index
    %get3A_115 = arith.constant 0 : index
    %get3A_116 = vector.load %arg4[%get3A_114, %get3A_115] : memref<18x1xf32, #tpu.memory_space<vmem>>, vector<18x1xf32>
    %add3A_117 = vector.broadcast %get3A_116 : vector<18x1xf32> to vector<18x1000xf32>
    %add3A_118 = arith.addf %dot_general3A_113, %add3A_117 : vector<18x1000xf32>
    %max3A_119 = arith.constant 0.000000e+00 : f32
    %max3A_120 = vector.broadcast %max3A_119 : f32 to vector<18x1000xf32>
    %max3A_121 = arith.maximumf %add3A_118, %max3A_120 : vector<18x1000xf32>
    %get3A_122 = arith.constant 0 : index
    %get3A_123 = arith.constant 0 : index
    %get3A_124 = vector.load %arg3[%get3A_122, %get3A_123] : memref<18x7xf32, #tpu.memory_space<vmem>>, vector<18x7xf32>
    %dot_general3A_125 = arith.constant dense<0.000000e+00> : vector<18x1000xf32>
    %dot_general3A_126 = tpu.matmul %get3A_124, %get3A_40, %dot_general3A_125 {dimension_numbers = #tpu.dot_dimension_numbers<[1], [0], [0], [1], [0, 0, 1, 1], [], []>, transpose_lhs_hint = false} : vector<18x7xf32>, vector<7x1000xf32>, vector<18x1000xf32> -> vector<18x1000xf32>
    %get3A_127 = arith.constant 0 : index
    %get3A_128 = arith.constant 0 : index
    %get3A_129 = vector.load %arg4[%get3A_127, %get3A_128] : memref<18x1xf32, #tpu.memory_space<vmem>>, vector<18x1xf32>
    %add3A_130 = vector.broadcast %get3A_129 : vector<18x1xf32> to vector<18x1000xf32>
    %add3A_131 = arith.addf %dot_general3A_126, %add3A_130 : vector<18x1000xf32>
    %max3A_132 = arith.constant 0.000000e+00 : f32
    %max3A_133 = vector.broadcast %max3A_132 : f32 to vector<18x1000xf32>
    %max3A_134 = arith.maximumf %add3A_131, %max3A_133 : vector<18x1000xf32>
    %get3A_135 = arith.constant 0 : index
    %get3A_136 = arith.constant 0 : index
    %get3A_137 = vector.load %arg3[%get3A_135, %get3A_136] : memref<18x7xf32, #tpu.memory_space<vmem>>, vector<18x7xf32>
    %dot_general3A_138 = arith.constant dense<0.000000e+00> : vector<18x1000xf32>
    %dot_general3A_139 = tpu.matmul %get3A_137, %get3A_46, %dot_general3A_138 {dimension_numbers = #tpu.dot_dimension_numbers<[1], [0], [0], [1], [0, 0, 1, 1], [], []>, transpose_lhs_hint = false} : vector<18x7xf32>, vector<7x1000xf32>, vector<18x1000xf32> -> vector<18x1000xf32>
    %get3A_140 = arith.constant 0 : index
    %get3A_141 = arith.constant 0 : index
    %get3A_142 = vector.load %arg4[%get3A_140, %get3A_141] : memref<18x1xf32, #tpu.memory_space<vmem>>, vector<18x1xf32>
    %add3A_143 = vector.broadcast %get3A_142 : vector<18x1xf32> to vector<18x1000xf32>
    %add3A_144 = arith.addf %dot_general3A_139, %add3A_143 : vector<18x1000xf32>
    %max3A_145 = arith.constant 0.000000e+00 : f32
    %max3A_146 = vector.broadcast %max3A_145 : f32 to vector<18x1000xf32>
    %max3A_147 = arith.maximumf %add3A_144, %max3A_146 : vector<18x1000xf32>
    %get3A_148 = arith.constant 0 : index
    %get3A_149 = arith.constant 0 : index
    %get3A_150 = vector.load %arg5[%get3A_148, %get3A_149] : memref<36x18xf32, #tpu.memory_space<vmem>>, vector<36x18xf32>
    %dot_general3A_151 = arith.constant dense<0.000000e+00> : vector<36x1000xf32>
    %dot_general3A_152 = tpu.matmul %get3A_150, %max3A_56, %dot_general3A_151 {dimension_numbers = #tpu.dot_dimension_numbers<[1], [0], [0], [1], [0, 0, 1, 1], [], []>, transpose_lhs_hint = false} : vector<36x18xf32>, vector<18x1000xf32>, vector<36x1000xf32> -> vector<36x1000xf32>
    %get3A_153 = arith.constant 0 : index
    %get3A_154 = arith.constant 0 : index
    %get3A_155 = vector.load %arg6[%get3A_153, %get3A_154] : memref<36x1xf32, #tpu.memory_space<vmem>>, vector<36x1xf32>
    %add3A_156 = vector.broadcast %get3A_155 : vector<36x1xf32> to vector<36x1000xf32>
    %add3A_157 = arith.addf %dot_general3A_152, %add3A_156 : vector<36x1000xf32>
    %max3A_158 = arith.constant 0.000000e+00 : f32
    %max3A_159 = vector.broadcast %max3A_158 : f32 to vector<36x1000xf32>
    %max3A_160 = arith.maximumf %add3A_157, %max3A_159 : vector<36x1000xf32>
    %get3A_161 = arith.constant 0 : index
    %get3A_162 = arith.constant 0 : index
    %get3A_163 = vector.load %arg5[%get3A_161, %get3A_162] : memref<36x18xf32, #tpu.memory_space<vmem>>, vector<36x18xf32>
    %dot_general3A_164 = arith.constant dense<0.000000e+00> : vector<36x1000xf32>
    %dot_general3A_165 = tpu.matmul %get3A_163, %max3A_69, %dot_general3A_164 {dimension_numbers = #tpu.dot_dimension_numbers<[1], [0], [0], [1], [0, 0, 1, 1], [], []>, transpose_lhs_hint = false} : vector<36x18xf32>, vector<18x1000xf32>, vector<36x1000xf32> -> vector<36x1000xf32>
    %get3A_166 = arith.constant 0 : index
    %get3A_167 = arith.constant 0 : index
    %get3A_168 = vector.load %arg6[%get3A_166, %get3A_167] : memref<36x1xf32, #tpu.memory_space<vmem>>, vector<36x1xf32>
    %add3A_169 = vector.broadcast %get3A_168 : vector<36x1xf32> to vector<36x1000xf32>
    %add3A_170 = arith.addf %dot_general3A_165, %add3A_169 : vector<36x1000xf32>
    %max3A_171 = arith.constant 0.000000e+00 : f32
    %max3A_172 = vector.broadcast %max3A_171 : f32 to vector<36x1000xf32>
    %max3A_173 = arith.maximumf %add3A_170, %max3A_172 : vector<36x1000xf32>
    %get3A_174 = arith.constant 0 : index
    %get3A_175 = arith.constant 0 : index
    %get3A_176 = vector.load %arg5[%get3A_174, %get3A_175] : memref<36x18xf32, #tpu.memory_space<vmem>>, vector<36x18xf32>
    %dot_general3A_177 = arith.constant dense<0.000000e+00> : vector<36x1000xf32>
    %dot_general3A_178 = tpu.matmul %get3A_176, %max3A_82, %dot_general3A_177 {dimension_numbers = #tpu.dot_dimension_numbers<[1], [0], [0], [1], [0, 0, 1, 1], [], []>, transpose_lhs_hint = false} : vector<36x18xf32>, vector<18x1000xf32>, vector<36x1000xf32> -> vector<36x1000xf32>
    %get3A_179 = arith.constant 0 : index
    %get3A_180 = arith.constant 0 : index
    %get3A_181 = vector.load %arg6[%get3A_179, %get3A_180] : memref<36x1xf32, #tpu.memory_space<vmem>>, vector<36x1xf32>
    %add3A_182 = vector.broadcast %get3A_181 : vector<36x1xf32> to vector<36x1000xf32>
    %add3A_183 = arith.addf %dot_general3A_178, %add3A_182 : vector<36x1000xf32>
    %max3A_184 = arith.constant 0.000000e+00 : f32
    %max3A_185 = vector.broadcast %max3A_184 : f32 to vector<36x1000xf32>
    %max3A_186 = arith.maximumf %add3A_183, %max3A_185 : vector<36x1000xf32>
    %get3A_187 = arith.constant 0 : index
    %get3A_188 = arith.constant 0 : index
    %get3A_189 = vector.load %arg5[%get3A_187, %get3A_188] : memref<36x18xf32, #tpu.memory_space<vmem>>, vector<36x18xf32>
    %dot_general3A_190 = arith.constant dense<0.000000e+00> : vector<36x1000xf32>
    %dot_general3A_191 = tpu.matmul %get3A_189, %max3A_95, %dot_general3A_190 {dimension_numbers = #tpu.dot_dimension_numbers<[1], [0], [0], [1], [0, 0, 1, 1], [], []>, transpose_lhs_hint = false} : vector<36x18xf32>, vector<18x1000xf32>, vector<36x1000xf32> -> vector<36x1000xf32>
    %get3A_192 = arith.constant 0 : index
    %get3A_193 = arith.constant 0 : index
    %get3A_194 = vector.load %arg6[%get3A_192, %get3A_193] : memref<36x1xf32, #tpu.memory_space<vmem>>, vector<36x1xf32>
    %add3A_195 = vector.broadcast %get3A_194 : vector<36x1xf32> to vector<36x1000xf32>
    %add3A_196 = arith.addf %dot_general3A_191, %add3A_195 : vector<36x1000xf32>
    %max3A_197 = arith.constant 0.000000e+00 : f32
    %max3A_198 = vector.broadcast %max3A_197 : f32 to vector<36x1000xf32>
    %max3A_199 = arith.maximumf %add3A_196, %max3A_198 : vector<36x1000xf32>
    %get3A_200 = arith.constant 0 : index
    %get3A_201 = arith.constant 0 : index
    %get3A_202 = vector.load %arg5[%get3A_200, %get3A_201] : memref<36x18xf32, #tpu.memory_space<vmem>>, vector<36x18xf32>
    %dot_general3A_203 = arith.constant dense<0.000000e+00> : vector<36x1000xf32>
    %dot_general3A_204 = tpu.matmul %get3A_202, %max3A_108, %dot_general3A_203 {dimension_numbers = #tpu.dot_dimension_numbers<[1], [0], [0], [1], [0, 0, 1, 1], [], []>, transpose_lhs_hint = false} : vector<36x18xf32>, vector<18x1000xf32>, vector<36x1000xf32> -> vector<36x1000xf32>
    %get3A_205 = arith.constant 0 : index
    %get3A_206 = arith.constant 0 : index
    %get3A_207 = vector.load %arg6[%get3A_205, %get3A_206] : memref<36x1xf32, #tpu.memory_space<vmem>>, vector<36x1xf32>
    %add3A_208 = vector.broadcast %get3A_207 : vector<36x1xf32> to vector<36x1000xf32>
    %add3A_209 = arith.addf %dot_general3A_204, %add3A_208 : vector<36x1000xf32>
    %max3A_210 = arith.constant 0.000000e+00 : f32
    %max3A_211 = vector.broadcast %max3A_210 : f32 to vector<36x1000xf32>
    %max3A_212 = arith.maximumf %add3A_209, %max3A_211 : vector<36x1000xf32>
    %get3A_213 = arith.constant 0 : index
    %get3A_214 = arith.constant 0 : index
    %get3A_215 = vector.load %arg5[%get3A_213, %get3A_214] : memref<36x18xf32, #tpu.memory_space<vmem>>, vector<36x18xf32>
    %dot_general3A_216 = arith.constant dense<0.000000e+00> : vector<36x1000xf32>
    %dot_general3A_217 = tpu.matmul %get3A_215, %max3A_121, %dot_general3A_216 {dimension_numbers = #tpu.dot_dimension_numbers<[1], [0], [0], [1], [0, 0, 1, 1], [], []>, transpose_lhs_hint = false} : vector<36x18xf32>, vector<18x1000xf32>, vector<36x1000xf32> -> vector<36x1000xf32>
    %get3A_218 = arith.constant 0 : index
    %get3A_219 = arith.constant 0 : index
    %get3A_220 = vector.load %arg6[%get3A_218, %get3A_219] : memref<36x1xf32, #tpu.memory_space<vmem>>, vector<36x1xf32>
    %add3A_221 = vector.broadcast %get3A_220 : vector<36x1xf32> to vector<36x1000xf32>
    %add3A_222 = arith.addf %dot_general3A_217, %add3A_221 : vector<36x1000xf32>
    %max3A_223 = arith.constant 0.000000e+00 : f32
    %max3A_224 = vector.broadcast %max3A_223 : f32 to vector<36x1000xf32>
    %max3A_225 = arith.maximumf %add3A_222, %max3A_224 : vector<36x1000xf32>
    %get3A_226 = arith.constant 0 : index
    %get3A_227 = arith.constant 0 : index
    %get3A_228 = vector.load %arg5[%get3A_226, %get3A_227] : memref<36x18xf32, #tpu.memory_space<vmem>>, vector<36x18xf32>
    %dot_general3A_229 = arith.constant dense<0.000000e+00> : vector<36x1000xf32>
    %dot_general3A_230 = tpu.matmul %get3A_228, %max3A_134, %dot_general3A_229 {dimension_numbers = #tpu.dot_dimension_numbers<[1], [0], [0], [1], [0, 0, 1, 1], [], []>, transpose_lhs_hint = false} : vector<36x18xf32>, vector<18x1000xf32>, vector<36x1000xf32> -> vector<36x1000xf32>
    %get3A_231 = arith.constant 0 : index
    %get3A_232 = arith.constant 0 : index
    %get3A_233 = vector.load %arg6[%get3A_231, %get3A_232] : memref<36x1xf32, #tpu.memory_space<vmem>>, vector<36x1xf32>
    %add3A_234 = vector.broadcast %get3A_233 : vector<36x1xf32> to vector<36x1000xf32>
    %add3A_235 = arith.addf %dot_general3A_230, %add3A_234 : vector<36x1000xf32>
    %max3A_236 = arith.constant 0.000000e+00 : f32
    %max3A_237 = vector.broadcast %max3A_236 : f32 to vector<36x1000xf32>
    %max3A_238 = arith.maximumf %add3A_235, %max3A_237 : vector<36x1000xf32>
    %get3A_239 = arith.constant 0 : index
    %get3A_240 = arith.constant 0 : index
    %get3A_241 = vector.load %arg5[%get3A_239, %get3A_240] : memref<36x18xf32, #tpu.memory_space<vmem>>, vector<36x18xf32>
    %dot_general3A_242 = arith.constant dense<0.000000e+00> : vector<36x1000xf32>
    %dot_general3A_243 = tpu.matmul %get3A_241, %max3A_147, %dot_general3A_242 {dimension_numbers = #tpu.dot_dimension_numbers<[1], [0], [0], [1], [0, 0, 1, 1], [], []>, transpose_lhs_hint = false} : vector<36x18xf32>, vector<18x1000xf32>, vector<36x1000xf32> -> vector<36x1000xf32>
    %get3A_244 = arith.constant 0 : index
    %get3A_245 = arith.constant 0 : index
    %get3A_246 = vector.load %arg6[%get3A_244, %get3A_245] : memref<36x1xf32, #tpu.memory_space<vmem>>, vector<36x1xf32>
    %add3A_247 = vector.broadcast %get3A_246 : vector<36x1xf32> to vector<36x1000xf32>
    %add3A_248 = arith.addf %dot_general3A_243, %add3A_247 : vector<36x1000xf32>
    %max3A_249 = arith.constant 0.000000e+00 : f32
    %max3A_250 = vector.broadcast %max3A_249 : f32 to vector<36x1000xf32>
    %max3A_251 = arith.maximumf %add3A_248, %max3A_250 : vector<36x1000xf32>
    %get3A_252 = arith.constant 0 : index
    %get3A_253 = arith.constant 0 : index
    %get3A_254 = vector.load %arg7[%get3A_252, %get3A_253] : memref<36x36xf32, #tpu.memory_space<vmem>>, vector<36x36xf32>
    %dot_general3A_255 = arith.constant dense<0.000000e+00> : vector<36x1000xf32>
    %dot_general3A_256 = tpu.matmul %get3A_254, %max3A_160, %dot_general3A_255 {dimension_numbers = #tpu.dot_dimension_numbers<[1], [0], [0], [1], [0, 0, 1, 1], [], []>, transpose_lhs_hint = false} : vector<36x36xf32>, vector<36x1000xf32>, vector<36x1000xf32> -> vector<36x1000xf32>
    %get3A_257 = arith.constant 0 : index
    %get3A_258 = arith.constant 0 : index
    %get3A_259 = vector.load %arg8[%get3A_257, %get3A_258] : memref<36x1xf32, #tpu.memory_space<vmem>>, vector<36x1xf32>
    %add3A_260 = vector.broadcast %get3A_259 : vector<36x1xf32> to vector<36x1000xf32>
    %add3A_261 = arith.addf %dot_general3A_256, %add3A_260 : vector<36x1000xf32>
    %max3A_262 = arith.constant 0.000000e+00 : f32
    %max3A_263 = vector.broadcast %max3A_262 : f32 to vector<36x1000xf32>
    %max3A_264 = arith.maximumf %add3A_261, %max3A_263 : vector<36x1000xf32>
    %get3A_265 = arith.constant 0 : index
    %get3A_266 = arith.constant 0 : index
    %get3A_267 = vector.load %arg7[%get3A_265, %get3A_266] : memref<36x36xf32, #tpu.memory_space<vmem>>, vector<36x36xf32>
    %dot_general3A_268 = arith.constant dense<0.000000e+00> : vector<36x1000xf32>
    %dot_general3A_269 = tpu.matmul %get3A_267, %max3A_173, %dot_general3A_268 {dimension_numbers = #tpu.dot_dimension_numbers<[1], [0], [0], [1], [0, 0, 1, 1], [], []>, transpose_lhs_hint = false} : vector<36x36xf32>, vector<36x1000xf32>, vector<36x1000xf32> -> vector<36x1000xf32>
    %get3A_270 = arith.constant 0 : index
    %get3A_271 = arith.constant 0 : index
    %get3A_272 = vector.load %arg8[%get3A_270, %get3A_271] : memref<36x1xf32, #tpu.memory_space<vmem>>, vector<36x1xf32>
    %add3A_273 = vector.broadcast %get3A_272 : vector<36x1xf32> to vector<36x1000xf32>
    %add3A_274 = arith.addf %dot_general3A_269, %add3A_273 : vector<36x1000xf32>
    %max3A_275 = arith.constant 0.000000e+00 : f32
    %max3A_276 = vector.broadcast %max3A_275 : f32 to vector<36x1000xf32>
    %max3A_277 = arith.maximumf %add3A_274, %max3A_276 : vector<36x1000xf32>
    %get3A_278 = arith.constant 0 : index
    %get3A_279 = arith.constant 0 : index
    %get3A_280 = vector.load %arg7[%get3A_278, %get3A_279] : memref<36x36xf32, #tpu.memory_space<vmem>>, vector<36x36xf32>
    %dot_general3A_281 = arith.constant dense<0.000000e+00> : vector<36x1000xf32>
    %dot_general3A_282 = tpu.matmul %get3A_280, %max3A_186, %dot_general3A_281 {dimension_numbers = #tpu.dot_dimension_numbers<[1], [0], [0], [1], [0, 0, 1, 1], [], []>, transpose_lhs_hint = false} : vector<36x36xf32>, vector<36x1000xf32>, vector<36x1000xf32> -> vector<36x1000xf32>
    %get3A_283 = arith.constant 0 : index
    %get3A_284 = arith.constant 0 : index
    %get3A_285 = vector.load %arg8[%get3A_283, %get3A_284] : memref<36x1xf32, #tpu.memory_space<vmem>>, vector<36x1xf32>
    %add3A_286 = vector.broadcast %get3A_285 : vector<36x1xf32> to vector<36x1000xf32>
    %add3A_287 = arith.addf %dot_general3A_282, %add3A_286 : vector<36x1000xf32>
    %max3A_288 = arith.constant 0.000000e+00 : f32
    %max3A_289 = vector.broadcast %max3A_288 : f32 to vector<36x1000xf32>
    %max3A_290 = arith.maximumf %add3A_287, %max3A_289 : vector<36x1000xf32>
    %get3A_291 = arith.constant 0 : index
    %get3A_292 = arith.constant 0 : index
    %get3A_293 = vector.load %arg7[%get3A_291, %get3A_292] : memref<36x36xf32, #tpu.memory_space<vmem>>, vector<36x36xf32>
    %dot_general3A_294 = arith.constant dense<0.000000e+00> : vector<36x1000xf32>
    %dot_general3A_295 = tpu.matmul %get3A_293, %max3A_199, %dot_general3A_294 {dimension_numbers = #tpu.dot_dimension_numbers<[1], [0], [0], [1], [0, 0, 1, 1], [], []>, transpose_lhs_hint = false} : vector<36x36xf32>, vector<36x1000xf32>, vector<36x1000xf32> -> vector<36x1000xf32>
    %get3A_296 = arith.constant 0 : index
    %get3A_297 = arith.constant 0 : index
    %get3A_298 = vector.load %arg8[%get3A_296, %get3A_297] : memref<36x1xf32, #tpu.memory_space<vmem>>, vector<36x1xf32>
    %add3A_299 = vector.broadcast %get3A_298 : vector<36x1xf32> to vector<36x1000xf32>
    %add3A_300 = arith.addf %dot_general3A_295, %add3A_299 : vector<36x1000xf32>
    %max3A_301 = arith.constant 0.000000e+00 : f32
    %max3A_302 = vector.broadcast %max3A_301 : f32 to vector<36x1000xf32>
    %max3A_303 = arith.maximumf %add3A_300, %max3A_302 : vector<36x1000xf32>
    %get3A_304 = arith.constant 0 : index
    %get3A_305 = arith.constant 0 : index
    %get3A_306 = vector.load %arg7[%get3A_304, %get3A_305] : memref<36x36xf32, #tpu.memory_space<vmem>>, vector<36x36xf32>
    %dot_general3A_307 = arith.constant dense<0.000000e+00> : vector<36x1000xf32>
    %dot_general3A_308 = tpu.matmul %get3A_306, %max3A_212, %dot_general3A_307 {dimension_numbers = #tpu.dot_dimension_numbers<[1], [0], [0], [1], [0, 0, 1, 1], [], []>, transpose_lhs_hint = false} : vector<36x36xf32>, vector<36x1000xf32>, vector<36x1000xf32> -> vector<36x1000xf32>
    %get3A_309 = arith.constant 0 : index
    %get3A_310 = arith.constant 0 : index
    %get3A_311 = vector.load %arg8[%get3A_309, %get3A_310] : memref<36x1xf32, #tpu.memory_space<vmem>>, vector<36x1xf32>
    %add3A_312 = vector.broadcast %get3A_311 : vector<36x1xf32> to vector<36x1000xf32>
    %add3A_313 = arith.addf %dot_general3A_308, %add3A_312 : vector<36x1000xf32>
    %max3A_314 = arith.constant 0.000000e+00 : f32
    %max3A_315 = vector.broadcast %max3A_314 : f32 to vector<36x1000xf32>
    %max3A_316 = arith.maximumf %add3A_313, %max3A_315 : vector<36x1000xf32>
    %get3A_317 = arith.constant 0 : index
    %get3A_318 = arith.constant 0 : index
    %get3A_319 = vector.load %arg7[%get3A_317, %get3A_318] : memref<36x36xf32, #tpu.memory_space<vmem>>, vector<36x36xf32>
    %dot_general3A_320 = arith.constant dense<0.000000e+00> : vector<36x1000xf32>
    %dot_general3A_321 = tpu.matmul %get3A_319, %max3A_225, %dot_general3A_320 {dimension_numbers = #tpu.dot_dimension_numbers<[1], [0], [0], [1], [0, 0, 1, 1], [], []>, transpose_lhs_hint = false} : vector<36x36xf32>, vector<36x1000xf32>, vector<36x1000xf32> -> vector<36x1000xf32>
    %get3A_322 = arith.constant 0 : index
    %get3A_323 = arith.constant 0 : index
    %get3A_324 = vector.load %arg8[%get3A_322, %get3A_323] : memref<36x1xf32, #tpu.memory_space<vmem>>, vector<36x1xf32>
    %add3A_325 = vector.broadcast %get3A_324 : vector<36x1xf32> to vector<36x1000xf32>
    %add3A_326 = arith.addf %dot_general3A_321, %add3A_325 : vector<36x1000xf32>
    %max3A_327 = arith.constant 0.000000e+00 : f32
    %max3A_328 = vector.broadcast %max3A_327 : f32 to vector<36x1000xf32>
    %max3A_329 = arith.maximumf %add3A_326, %max3A_328 : vector<36x1000xf32>
    %get3A_330 = arith.constant 0 : index
    %get3A_331 = arith.constant 0 : index
    %get3A_332 = vector.load %arg7[%get3A_330, %get3A_331] : memref<36x36xf32, #tpu.memory_space<vmem>>, vector<36x36xf32>
    %dot_general3A_333 = arith.constant dense<0.000000e+00> : vector<36x1000xf32>
    %dot_general3A_334 = tpu.matmul %get3A_332, %max3A_238, %dot_general3A_333 {dimension_numbers = #tpu.dot_dimension_numbers<[1], [0], [0], [1], [0, 0, 1, 1], [], []>, transpose_lhs_hint = false} : vector<36x36xf32>, vector<36x1000xf32>, vector<36x1000xf32> -> vector<36x1000xf32>
    %get3A_335 = arith.constant 0 : index
    %get3A_336 = arith.constant 0 : index
    %get3A_337 = vector.load %arg8[%get3A_335, %get3A_336] : memref<36x1xf32, #tpu.memory_space<vmem>>, vector<36x1xf32>
    %add3A_338 = vector.broadcast %get3A_337 : vector<36x1xf32> to vector<36x1000xf32>
    %add3A_339 = arith.addf %dot_general3A_334, %add3A_338 : vector<36x1000xf32>
    %max3A_340 = arith.constant 0.000000e+00 : f32
    %max3A_341 = vector.broadcast %max3A_340 : f32 to vector<36x1000xf32>
    %max3A_342 = arith.maximumf %add3A_339, %max3A_341 : vector<36x1000xf32>
    %get3A_343 = arith.constant 0 : index
    %get3A_344 = arith.constant 0 : index
    %get3A_345 = vector.load %arg7[%get3A_343, %get3A_344] : memref<36x36xf32, #tpu.memory_space<vmem>>, vector<36x36xf32>
    %dot_general3A_346 = arith.constant dense<0.000000e+00> : vector<36x1000xf32>
    %dot_general3A_347 = tpu.matmul %get3A_345, %max3A_251, %dot_general3A_346 {dimension_numbers = #tpu.dot_dimension_numbers<[1], [0], [0], [1], [0, 0, 1, 1], [], []>, transpose_lhs_hint = false} : vector<36x36xf32>, vector<36x1000xf32>, vector<36x1000xf32> -> vector<36x1000xf32>
    %get3A_348 = arith.constant 0 : index
    %get3A_349 = arith.constant 0 : index
    %get3A_350 = vector.load %arg8[%get3A_348, %get3A_349] : memref<36x1xf32, #tpu.memory_space<vmem>>, vector<36x1xf32>
    %add3A_351 = vector.broadcast %get3A_350 : vector<36x1xf32> to vector<36x1000xf32>
    %add3A_352 = arith.addf %dot_general3A_347, %add3A_351 : vector<36x1000xf32>
    %max3A_353 = arith.constant 0.000000e+00 : f32
    %max3A_354 = vector.broadcast %max3A_353 : f32 to vector<36x1000xf32>
    %max3A_355 = arith.maximumf %add3A_352, %max3A_354 : vector<36x1000xf32>
    %get3A_356 = arith.constant 0 : index
    %get3A_357 = arith.constant 0 : index
    %get3A_358 = vector.load %arg9[%get3A_356, %get3A_357] : memref<1x36xf32, #tpu.memory_space<vmem>>, vector<1x36xf32>
    %dot_general3A_359 = arith.constant dense<0.000000e+00> : vector<1x1000xf32>
    %dot_general3A_360 = tpu.matmul %get3A_358, %max3A_264, %dot_general3A_359 {dimension_numbers = #tpu.dot_dimension_numbers<[1], [0], [0], [1], [0, 0, 1, 1], [], []>, transpose_lhs_hint = false} : vector<1x36xf32>, vector<36x1000xf32>, vector<1x1000xf32> -> vector<1x1000xf32>
    %get3A_361 = arith.constant 0 : index
    %get3A_362 = arith.constant 0 : index
    %get3A_363 = vector.load %arg10[%get3A_361, %get3A_362] : memref<1x1xf32, #tpu.memory_space<vmem>>, vector<1x1xf32>
    %add3A_364 = vector.broadcast %get3A_363 : vector<1x1xf32> to vector<1x1000xf32>
    %add3A_365 = arith.addf %dot_general3A_360, %add3A_364 : vector<1x1000xf32>
    %get3A_366 = arith.constant 0 : index
    %get3A_367 = arith.constant 0 : index
    %get3A_368 = vector.load %arg9[%get3A_366, %get3A_367] : memref<1x36xf32, #tpu.memory_space<vmem>>, vector<1x36xf32>
    %dot_general3A_369 = arith.constant dense<0.000000e+00> : vector<1x1000xf32>
    %dot_general3A_370 = tpu.matmul %get3A_368, %max3A_277, %dot_general3A_369 {dimension_numbers = #tpu.dot_dimension_numbers<[1], [0], [0], [1], [0, 0, 1, 1], [], []>, transpose_lhs_hint = false} : vector<1x36xf32>, vector<36x1000xf32>, vector<1x1000xf32> -> vector<1x1000xf32>
    %get3A_371 = arith.constant 0 : index
    %get3A_372 = arith.constant 0 : index
    %get3A_373 = vector.load %arg10[%get3A_371, %get3A_372] : memref<1x1xf32, #tpu.memory_space<vmem>>, vector<1x1xf32>
    %add3A_374 = vector.broadcast %get3A_373 : vector<1x1xf32> to vector<1x1000xf32>
    %add3A_375 = arith.addf %dot_general3A_370, %add3A_374 : vector<1x1000xf32>
    %get3A_376 = arith.constant 0 : index
    %get3A_377 = arith.constant 0 : index
    %get3A_378 = vector.load %arg9[%get3A_376, %get3A_377] : memref<1x36xf32, #tpu.memory_space<vmem>>, vector<1x36xf32>
    %dot_general3A_379 = arith.constant dense<0.000000e+00> : vector<1x1000xf32>
    %dot_general3A_380 = tpu.matmul %get3A_378, %max3A_290, %dot_general3A_379 {dimension_numbers = #tpu.dot_dimension_numbers<[1], [0], [0], [1], [0, 0, 1, 1], [], []>, transpose_lhs_hint = false} : vector<1x36xf32>, vector<36x1000xf32>, vector<1x1000xf32> -> vector<1x1000xf32>
    %get3A_381 = arith.constant 0 : index
    %get3A_382 = arith.constant 0 : index
    %get3A_383 = vector.load %arg10[%get3A_381, %get3A_382] : memref<1x1xf32, #tpu.memory_space<vmem>>, vector<1x1xf32>
    %add3A_384 = vector.broadcast %get3A_383 : vector<1x1xf32> to vector<1x1000xf32>
    %add3A_385 = arith.addf %dot_general3A_380, %add3A_384 : vector<1x1000xf32>
    %get3A_386 = arith.constant 0 : index
    %get3A_387 = arith.constant 0 : index
    %get3A_388 = vector.load %arg9[%get3A_386, %get3A_387] : memref<1x36xf32, #tpu.memory_space<vmem>>, vector<1x36xf32>
    %dot_general3A_389 = arith.constant dense<0.000000e+00> : vector<1x1000xf32>
    %dot_general3A_390 = tpu.matmul %get3A_388, %max3A_303, %dot_general3A_389 {dimension_numbers = #tpu.dot_dimension_numbers<[1], [0], [0], [1], [0, 0, 1, 1], [], []>, transpose_lhs_hint = false} : vector<1x36xf32>, vector<36x1000xf32>, vector<1x1000xf32> -> vector<1x1000xf32>
    %get3A_391 = arith.constant 0 : index
    %get3A_392 = arith.constant 0 : index
    %get3A_393 = vector.load %arg10[%get3A_391, %get3A_392] : memref<1x1xf32, #tpu.memory_space<vmem>>, vector<1x1xf32>
    %add3A_394 = vector.broadcast %get3A_393 : vector<1x1xf32> to vector<1x1000xf32>
    %add3A_395 = arith.addf %dot_general3A_390, %add3A_394 : vector<1x1000xf32>
    %get3A_396 = arith.constant 0 : index
    %get3A_397 = arith.constant 0 : index
    %get3A_398 = vector.load %arg9[%get3A_396, %get3A_397] : memref<1x36xf32, #tpu.memory_space<vmem>>, vector<1x36xf32>
    %dot_general3A_399 = arith.constant dense<0.000000e+00> : vector<1x1000xf32>
    %dot_general3A_400 = tpu.matmul %get3A_398, %max3A_316, %dot_general3A_399 {dimension_numbers = #tpu.dot_dimension_numbers<[1], [0], [0], [1], [0, 0, 1, 1], [], []>, transpose_lhs_hint = false} : vector<1x36xf32>, vector<36x1000xf32>, vector<1x1000xf32> -> vector<1x1000xf32>
    %get3A_401 = arith.constant 0 : index
    %get3A_402 = arith.constant 0 : index
    %get3A_403 = vector.load %arg10[%get3A_401, %get3A_402] : memref<1x1xf32, #tpu.memory_space<vmem>>, vector<1x1xf32>
    %add3A_404 = vector.broadcast %get3A_403 : vector<1x1xf32> to vector<1x1000xf32>
    %add3A_405 = arith.addf %dot_general3A_400, %add3A_404 : vector<1x1000xf32>
    %get3A_406 = arith.constant 0 : index
    %get3A_407 = arith.constant 0 : index
    %get3A_408 = vector.load %arg9[%get3A_406, %get3A_407] : memref<1x36xf32, #tpu.memory_space<vmem>>, vector<1x36xf32>
    %dot_general3A_409 = arith.constant dense<0.000000e+00> : vector<1x1000xf32>
    %dot_general3A_410 = tpu.matmul %get3A_408, %max3A_329, %dot_general3A_409 {dimension_numbers = #tpu.dot_dimension_numbers<[1], [0], [0], [1], [0, 0, 1, 1], [], []>, transpose_lhs_hint = false} : vector<1x36xf32>, vector<36x1000xf32>, vector<1x1000xf32> -> vector<1x1000xf32>
    %get3A_411 = arith.constant 0 : index
    %get3A_412 = arith.constant 0 : index
    %get3A_413 = vector.load %arg10[%get3A_411, %get3A_412] : memref<1x1xf32, #tpu.memory_space<vmem>>, vector<1x1xf32>
    %add3A_414 = vector.broadcast %get3A_413 : vector<1x1xf32> to vector<1x1000xf32>
    %add3A_415 = arith.addf %dot_general3A_410, %add3A_414 : vector<1x1000xf32>
    %get3A_416 = arith.constant 0 : index
    %get3A_417 = arith.constant 0 : index
    %get3A_418 = vector.load %arg9[%get3A_416, %get3A_417] : memref<1x36xf32, #tpu.memory_space<vmem>>, vector<1x36xf32>
    %dot_general3A_419 = arith.constant dense<0.000000e+00> : vector<1x1000xf32>
    %dot_general3A_420 = tpu.matmul %get3A_418, %max3A_342, %dot_general3A_419 {dimension_numbers = #tpu.dot_dimension_numbers<[1], [0], [0], [1], [0, 0, 1, 1], [], []>, transpose_lhs_hint = false} : vector<1x36xf32>, vector<36x1000xf32>, vector<1x1000xf32> -> vector<1x1000xf32>
    %get3A_421 = arith.constant 0 : index
    %get3A_422 = arith.constant 0 : index
    %get3A_423 = vector.load %arg10[%get3A_421, %get3A_422] : memref<1x1xf32, #tpu.memory_space<vmem>>, vector<1x1xf32>
    %add3A_424 = vector.broadcast %get3A_423 : vector<1x1xf32> to vector<1x1000xf32>
    %add3A_425 = arith.addf %dot_general3A_420, %add3A_424 : vector<1x1000xf32>
    %get3A_426 = arith.constant 0 : index
    %get3A_427 = arith.constant 0 : index
    %get3A_428 = vector.load %arg9[%get3A_426, %get3A_427] : memref<1x36xf32, #tpu.memory_space<vmem>>, vector<1x36xf32>
    %dot_general3A_429 = arith.constant dense<0.000000e+00> : vector<1x1000xf32>
    %dot_general3A_430 = tpu.matmul %get3A_428, %max3A_355, %dot_general3A_429 {dimension_numbers = #tpu.dot_dimension_numbers<[1], [0], [0], [1], [0, 0, 1, 1], [], []>, transpose_lhs_hint = false} : vector<1x36xf32>, vector<36x1000xf32>, vector<1x1000xf32> -> vector<1x1000xf32>
    %get3A_431 = arith.constant 0 : index
    %get3A_432 = arith.constant 0 : index
    %get3A_433 = vector.load %arg10[%get3A_431, %get3A_432] : memref<1x1xf32, #tpu.memory_space<vmem>>, vector<1x1xf32>
    %add3A_434 = vector.broadcast %get3A_433 : vector<1x1xf32> to vector<1x1000xf32>
    %add3A_435 = arith.addf %dot_general3A_430, %add3A_434 : vector<1x1000xf32>
    %swap3A = arith.constant 0 : index
    %swap3A_436 = arith.constant 0 : index
    %swap3A_437 = vector.load %arg11[%swap3A, %swap3A_436] : memref<8x1000xf32, #tpu.memory_space<vmem>>, vector<1x1000xf32>
    tpu.vector_store %arg11[%swap3A, %swap3A_436], %add3A_365 {strides = array<i32>} : memref<8x1000xf32, #tpu.memory_space<vmem>>, vector<1x1000xf32>,
    %swap3A_438 = arith.constant 1 : index
    %swap3A_439 = arith.constant 0 : index
    %swap3A_440 = vector.load %arg11[%swap3A_438, %swap3A_439] : memref<8x1000xf32, #tpu.memory_space<vmem>>, vector<1x1000xf32>
    tpu.vector_store %arg11[%swap3A_438, %swap3A_439], %add3A_375 {strides = array<i32>} : memref<8x1000xf32, #tpu.memory_space<vmem>>, vector<1x1000xf32>,
    %swap3A_441 = arith.constant 2 : index
    %swap3A_442 = arith.constant 0 : index
    %swap3A_443 = vector.load %arg11[%swap3A_441, %swap3A_442] : memref<8x1000xf32, #tpu.memory_space<vmem>>, vector<1x1000xf32>
    tpu.vector_store %arg11[%swap3A_441, %swap3A_442], %add3A_385 {strides = array<i32>} : memref<8x1000xf32, #tpu.memory_space<vmem>>, vector<1x1000xf32>,
    %swap3A_444 = arith.constant 3 : index
    %swap3A_445 = arith.constant 0 : index
    %swap3A_446 = vector.load %arg11[%swap3A_444, %swap3A_445] : memref<8x1000xf32, #tpu.memory_space<vmem>>, vector<1x1000xf32>
    tpu.vector_store %arg11[%swap3A_444, %swap3A_445], %add3A_395 {strides = array<i32>} : memref<8x1000xf32, #tpu.memory_space<vmem>>, vector<1x1000xf32>,
    %swap3A_447 = arith.constant 4 : index
    %swap3A_448 = arith.constant 0 : index
    %swap3A_449 = vector.load %arg11[%swap3A_447, %swap3A_448] : memref<8x1000xf32, #tpu.memory_space<vmem>>, vector<1x1000xf32>
    tpu.vector_store %arg11[%swap3A_447, %swap3A_448], %add3A_405 {strides = array<i32>} : memref<8x1000xf32, #tpu.memory_space<vmem>>, vector<1x1000xf32>,
    %swap3A_450 = arith.constant 5 : index
    %swap3A_451 = arith.constant 0 : index
    %swap3A_452 = vector.load %arg11[%swap3A_450, %swap3A_451] : memref<8x1000xf32, #tpu.memory_space<vmem>>, vector<1x1000xf32>
    tpu.vector_store %arg11[%swap3A_450, %swap3A_451], %add3A_415 {strides = array<i32>} : memref<8x1000xf32, #tpu.memory_space<vmem>>, vector<1x1000xf32>,
    %swap3A_453 = arith.constant 6 : index
    %swap3A_454 = arith.constant 0 : index
    %swap3A_455 = vector.load %arg11[%swap3A_453, %swap3A_454] : memref<8x1000xf32, #tpu.memory_space<vmem>>, vector<1x1000xf32>
    tpu.vector_store %arg11[%swap3A_453, %swap3A_454], %add3A_425 {strides = array<i32>} : memref<8x1000xf32, #tpu.memory_space<vmem>>, vector<1x1000xf32>,
    %swap3A_456 = arith.constant 7 : index
    %swap3A_457 = arith.constant 0 : index
    %swap3A_458 = vector.load %arg11[%swap3A_456, %swap3A_457] : memref<8x1000xf32, #tpu.memory_space<vmem>>, vector<1x1000xf32>
    tpu.vector_store %arg11[%swap3A_456, %swap3A_457], %add3A_435 {strides = array<i32>} : memref<8x1000xf32, #tpu.memory_space<vmem>>, vector<1x1000xf32>,
    %get3A_459 = arith.constant 0 : index
    %get3A_460 = arith.constant 0 : index
    %get3A_461 = arith.constant 0 : index
    %get3A_462 = vector.load %arg2[%get3A_459, %get3A_460, %get3A_461] : memref<2x8x1000xi32, #tpu.memory_space<vmem>>, vector<2x8x1000xi32>
    %slice3A = vector.extract_strided_slice %get3A_462 {offsets = [0, 0, 0], sizes = [1, 8, 1000], strides = [1, 1, 1]} : vector<2x8x1000xi32> to vector<1x8x1000xi32>
    %squeeze3A = vector.shape_cast %slice3A : vector<1x8x1000xi32> to vector<8x1000xi32>
    %mul3A = arith.constant 1024 : i32
    %mul3A_463 = vector.broadcast %mul3A : i32 to vector<8x1000xi32>
    %mul3A_464 = arith.muli %squeeze3A, %mul3A_463 : vector<8x1000xi32>
    %slice3A_465 = vector.extract_strided_slice %get3A_462 {offsets = [1, 0, 0], sizes = [1, 8, 1000], strides = [1, 1, 1]} : vector<2x8x1000xi32> to vector<1x8x1000xi32>
    %squeeze3A_466 = vector.shape_cast %slice3A_465 : vector<1x8x1000xi32> to vector<8x1000xi32>
    %add3A_467 = arith.addi %mul3A_464, %squeeze3A_466 : vector<8x1000xi32>
    %swap3A_468 = arith.constant 0 : index
    %swap3A_469 = arith.constant 0 : index
    %swap3A_470 = vector.load %arg12[%swap3A_468, %swap3A_469] : memref<8x1000xi32, #tpu.memory_space<vmem>>, vector<8x1000xi32>
    tpu.vector_store %arg12[%swap3A_468, %swap3A_469], %add3A_467 {strides = array<i32>} : memref<8x1000xi32, #tpu.memory_space<vmem>>, vector<8x1000xi32>,
    return
  }
  func.func @transform_0(%arg0: i32) -> (i32, i32, i32, i32) {
    %c0_i32 = arith.constant 0 : i32
    %c0_i32_0 = arith.constant 0 : i32
    %c0_i32_1 = arith.constant 0 : i32
    %c0_i32_2 = arith.constant 0 : i32
    return %c0_i32, %c0_i32_0, %arg0, %c0_i32_1 : i32, i32, i32, i32
  }
  func.func @transform_1(%arg0: i32) -> (i32, i32, i32) {
    %c0_i32 = arith.constant 0 : i32
    %c0_i32_0 = arith.constant 0 : i32
    %c0_i32_1 = arith.constant 0 : i32
    return %c0_i32, %arg0, %c0_i32_0 : i32, i32, i32
  }
  func.func @transform_2(%arg0: i32) -> (i32, i32) {
    %c0_i32 = arith.constant 0 : i32
    %c0_i32_0 = arith.constant 0 : i32
    %c0_i32_1 = arith.constant 0 : i32
    return %c0_i32, %c0_i32_0 : i32, i32
  }
  func.func @transform_3(%arg0: i32) -> (i32, i32) {
    %c0_i32 = arith.constant 0 : i32
    %c0_i32_0 = arith.constant 0 : i32
    %c0_i32_1 = arith.constant 0 : i32
    return %c0_i32, %c0_i32_0 : i32, i32
  }
  func.func @transform_4(%arg0: i32) -> (i32, i32) {
    %c0_i32 = arith.constant 0 : i32
    %c0_i32_0 = arith.constant 0 : i32
    %c0_i32_1 = arith.constant 0 : i32
    return %c0_i32, %c0_i32_0 : i32, i32
  }
  func.func @transform_5(%arg0: i32) -> (i32, i32) {
    %c0_i32 = arith.constant 0 : i32
    %c0_i32_0 = arith.constant 0 : i32
    %c0_i32_1 = arith.constant 0 : i32
    return %c0_i32, %c0_i32_0 : i32, i32
  }
  func.func @transform_6(%arg0: i32) -> (i32, i32) {
    %c0_i32 = arith.constant 0 : i32
    %c0_i32_0 = arith.constant 0 : i32
    %c0_i32_1 = arith.constant 0 : i32
    return %c0_i32, %c0_i32_0 : i32, i32
  }
  func.func @transform_7(%arg0: i32) -> (i32, i32) {
    %c0_i32 = arith.constant 0 : i32
    %c0_i32_0 = arith.constant 0 : i32
    %c0_i32_1 = arith.constant 0 : i32
    return %c0_i32, %c0_i32_0 : i32, i32
  }
  func.func @transform_8(%arg0: i32) -> (i32, i32) {
    %c0_i32 = arith.constant 0 : i32
    %c0_i32_0 = arith.constant 0 : i32
    %c0_i32_1 = arith.constant 0 : i32
    return %c0_i32, %c0_i32_0 : i32, i32
  }
  func.func @transform_9(%arg0: i32) -> (i32, i32) {
    %c0_i32 = arith.constant 0 : i32
    %c0_i32_0 = arith.constant 0 : i32
    %c0_i32_1 = arith.constant 0 : i32
    return %c0_i32, %c0_i32_0 : i32, i32
  }
  func.func @transform_10(%arg0: i32) -> (i32, i32) {
    %c0_i32 = arith.constant 0 : i32
    %c0_i32_0 = arith.constant 0 : i32
    return %arg0, %c0_i32 : i32, i32
  }
  func.func @transform_11(%arg0: i32) -> (i32, i32) {
    %c0_i32 = arith.constant 0 : i32
    %c0_i32_0 = arith.constant 0 : i32
    return %arg0, %c0_i32 : i32, i32
  }
}

module attributes {stable_mosaic.version = 14 : i64} {
  func.func @_merge_body(%arg0: i32, %arg1: memref<2x1x64x1024xf32, #tpu.memory_space<vmem>>, %arg2: memref<1x1x64xf32, #tpu.memory_space<vmem>>, %arg3: memref<1x1x1024xf32, #tpu.memory_space<vmem>>) attributes {dimension_semantics = [#tpu.dimension_semantics<arbitrary>], iteration_bounds = array<i64: 16>, scalar_prefetch = 0 : i64, scratch_operands = 0 : i64, tpu.core_type = #tpu.core_type<tc>, window_params = [{transform_indices = @transform_0, window_bounds = array<i64: 2, 1, 64, 1024>}, {transform_indices = @transform_1, window_bounds = array<i64: 1, 1, 64>}, {transform_indices = @transform_2, window_bounds = array<i64: 1, 1, 1024>}]} {
    %get3A = arith.constant 0 : index
    %get3A_0 = arith.constant 0 : index
    %get3A_1 = arith.constant 0 : index
    %get3A_2 = arith.constant 0 : index
    %get3A_3 = vector.load %arg1[%get3A, %get3A_0, %get3A_1, %get3A_2] : memref<2x1x64x1024xf32, #tpu.memory_space<vmem>>, vector<1x1x64x1024xf32>
    %get3A_4 = vector.shape_cast %get3A_3 : vector<1x1x64x1024xf32> to vector<64x1024xf32>
    %get3A_5 = arith.constant 1 : index
    %get3A_6 = arith.constant 0 : index
    %get3A_7 = arith.constant 0 : index
    %get3A_8 = arith.constant 0 : index
    %get3A_9 = vector.load %arg1[%get3A_5, %get3A_6, %get3A_7, %get3A_8] : memref<2x1x64x1024xf32, #tpu.memory_space<vmem>>, vector<1x1x64x1024xf32>
    %get3A_10 = vector.shape_cast %get3A_9 : vector<1x1x64x1024xf32> to vector<64x1024xf32>
    %ne3A = arith.constant -3.000000e+38 : f32
    %ne3A_11 = vector.broadcast %ne3A : f32 to vector<64x1024xf32>
    %ne3A_12 = arith.cmpf one, %get3A_10, %ne3A_11 : vector<64x1024xf32>
    %ne3A_13 = arith.constant -3.000000e+38 : f32
    %ne3A_14 = vector.broadcast %ne3A_13 : f32 to vector<64x1024xf32>
    %ne3A_15 = arith.cmpf one, %get3A_4, %ne3A_14 : vector<64x1024xf32>
    %jit3A = arith.constant -9.999000e+03 : f32
    %broadcast_in_dim3A = vector.broadcast %jit3A : f32 to vector<64x1024xf32>
    %select_n3A = arith.select %ne3A_15, %get3A_4, %broadcast_in_dim3A : vector<64x1024xi1>, vector<64x1024xf32>
    %select_n3A_16 = arith.select %ne3A_12, %get3A_10, %select_n3A : vector<64x1024xi1>, vector<64x1024xf32>
    %reduce_max3A = arith.constant dense<0xFF800000> : vector<64xf32>
    %reduce_max3A_17 = vector.multi_reduction <maximumf>, %select_n3A_16, %reduce_max3A [1] : vector<64x1024xf32> to vector<64xf32>
    %broadcast_in_dim3A_18 = vector.shape_cast %reduce_max3A_17 : vector<64xf32> to vector<64x1xf32>
    %reshape3A = vector.shape_cast %broadcast_in_dim3A_18 : vector<64x1xf32> to vector<1x1x64xf32>
    %swap3A = arith.constant 0 : index
    %swap3A_19 = arith.constant 0 : index
    %swap3A_20 = arith.constant 0 : index
    %swap3A_21 = vector.load %arg2[%swap3A, %swap3A_19, %swap3A_20] : memref<1x1x64xf32, #tpu.memory_space<vmem>>, vector<1x1x64xf32>
    tpu.vector_store %arg2[%swap3A, %swap3A_19, %swap3A_20], %reshape3A {strides = array<i32>} : memref<1x1x64xf32, #tpu.memory_space<vmem>>, vector<1x1x64xf32>,
    %reduce_max3A_22 = arith.constant dense<0xFF800000> : vector<1024xf32>
    %reduce_max3A_23 = vector.multi_reduction <maximumf>, %select_n3A_16, %reduce_max3A_22 [0] : vector<64x1024xf32> to vector<1024xf32>
    %broadcast_in_dim3A_24 = vector.shape_cast %reduce_max3A_23 : vector<1024xf32> to vector<1x1024xf32>
    %broadcast_in_dim3A_25 = vector.shape_cast %broadcast_in_dim3A_24 : vector<1x1024xf32> to vector<1x1x1024xf32>
    %swap3A_26 = arith.constant 0 : index
    %swap3A_27 = arith.constant 0 : index
    %swap3A_28 = arith.constant 0 : index
    %swap3A_29 = vector.load %arg3[%swap3A_26, %swap3A_27, %swap3A_28] : memref<1x1x1024xf32, #tpu.memory_space<vmem>>, vector<1x1x1024xf32>
    tpu.vector_store %arg3[%swap3A_26, %swap3A_27, %swap3A_28], %broadcast_in_dim3A_25 {strides = array<i32>} : memref<1x1x1024xf32, #tpu.memory_space<vmem>>, vector<1x1x1024xf32>,
    return
  }
  func.func @transform_0(%arg0: i32) -> (i32, i32, i32, i32) {
    %c0_i32 = arith.constant 0 : i32
    %c0_i32_0 = arith.constant 0 : i32
    %c0_i32_1 = arith.constant 0 : i32
    %c0_i32_2 = arith.constant 0 : i32
    return %c0_i32, %arg0, %c0_i32_0, %c0_i32_1 : i32, i32, i32, i32
  }
  func.func @transform_1(%arg0: i32) -> (i32, i32, i32) {
    %c0_i32 = arith.constant 0 : i32
    %c0_i32_0 = arith.constant 0 : i32
    %c0_i32_1 = arith.constant 0 : i32
    return %arg0, %c0_i32, %c0_i32_0 : i32, i32, i32
  }
  func.func @transform_2(%arg0: i32) -> (i32, i32, i32) {
    %c0_i32 = arith.constant 0 : i32
    %c0_i32_0 = arith.constant 0 : i32
    %c0_i32_1 = arith.constant 0 : i32
    return %arg0, %c0_i32, %c0_i32_0 : i32, i32, i32
  }
}

module attributes {stable_mosaic.version = 14 : i64} {
  func.func @_combine_body(%arg0: memref<16x1x1024xf32, #tpu.memory_space<vmem>>, %arg1: memref<1x1024xf32, #tpu.memory_space<vmem>>) attributes {dimension_semantics = [], scalar_prefetch = 0 : i64, scratch_operands = 0 : i64, tpu.core_type = #tpu.core_type<tc>} {
    %get3A = arith.constant 0 : index
    %get3A_0 = arith.constant 0 : index
    %get3A_1 = arith.constant 0 : index
    %get3A_2 = vector.load %arg0[%get3A, %get3A_0, %get3A_1] : memref<16x1x1024xf32, #tpu.memory_space<vmem>>, vector<16x1x1024xf32>
    %reduce_max3A = arith.constant dense<0xFF800000> : vector<1x1024xf32>
    %reduce_max3A_3 = vector.multi_reduction <maximumf>, %get3A_2, %reduce_max3A [0] : vector<16x1x1024xf32> to vector<1x1024xf32>
    %swap3A = arith.constant 0 : index
    %swap3A_4 = arith.constant 0 : index
    %swap3A_5 = vector.load %arg1[%swap3A, %swap3A_4] : memref<1x1024xf32, #tpu.memory_space<vmem>>, vector<1x1024xf32>
    tpu.vector_store %arg1[%swap3A, %swap3A_4], %reduce_max3A_3 {strides = array<i32>} : memref<1x1024xf32, #tpu.memory_space<vmem>>, vector<1x1024xf32>,
    return
  }
}

</mosaic_0001>

<sc_bundles>
// kernel: kernel.6.cloned.1.call-start
scs
__scs_entry_jumppad:
0x0: {  	(pc) =	sbr.rel $0x88, $3  }
0x1: {  	(tag) =	ssettag $0x0;
	lr =	simm.s32 $0x1  }
0x2: {  	[smem:$0x3F97] =	sst lr;
	_ =	strace $0xD0000000  }
0x3: {  	_ = 	snop  }
0x4: {  	_ = 	snop  }
0x5: {  	_ = 	snop  }
0x6: {  	_ = 	snop  }
0x7: {  	_ = 	snop  }
__scs_overlays_trampoline_lowered:
0x8: {  	[smem:$0x3FA6] =	sst s0  }
0x9: {  	[smem:$0x3FA7] =	sst s1  }
0xa: {  	[smem:$0x3FA8] =	sst s2  }
0xb: {  	[smem:$0x3FA9] =	sst s3  }
0xc: {  	[smem:$0x3FAA] =	sst s4  }
0xd: {  	[smem:$0x3FAB] =	sst s5  }
0xe: {  	[smem:$0x3FAC] =	sst s6  }
0xf: {  	[smem:$0x3FAD] =	sst s7  }
0x10: {  	[smem:$0x3FAE] =	sst s8  }
0x11: {  	[smem:$0x3FAF] =	sst s9;
	s0 =	simm.s32 @!p0 $0x0  }
0x12: {  	s1 =	sld [smem:$0x3F95];
	s0 =	simm.s32 @p0 $0x1  }
0x13: {  	[smem:$0x3FB0] =	sst s0;
	s0 =	simm.s32 @!p1 $0x0  }
0x14: {  	s2 =	sld [smem:$0x3F94];
	s0 =	simm.s32 @p1 $0x1  }
0x15: {  	[smem:$0x3FB1] =	sst s0;
	s0 =	simm.s32 @!p2 $0x0  }
0x16: {  	s3 =	sld [smem:$0x3FDB];
	s0 =	simm.s32 @p2 $0x1  }
0x17: {  	s4 =	simm.s32 $0x1BF5;
	[smem:$0x3FB3] =	sst s0  }
0x18: {  	s0 =	sld [smem:$0x3F96];
	_ =	swait.ge [sflag:s4], $0x0  }
0x19: {  	s7 =	sld [smem:$0x3F97]  }
0x1a: {  	s8 =	sadd.s32 $0xFFFFE003, lr  }
0x1b: {  	s9 =	sadd.s32 $0xFFFFFEF7, lr;
	s5 =	simm.s32 $0xFFFFFFFF;
	p2 =	slt.u32 s8, $0xFFFFF086  }
0x1c: {  	p1 =	slt.u32 s9, $0xF7A;
	s5 =	simm.s32 @!p2 $0x0  }
0x1d: {  	s5 =	simm.s32 @p1 $0x1;
	p0 =	seq.s32 s7, s2  }
0x1e: {  	s7 =	smul.u32 @!p0 $0xF7A, s2;
	p2 =	seq.s32 @!p0 s5, $0x0  }
0x1f: {  	s9 =	smul.u32 $0xF7A, s1;
	s8 =	simm.s32 @!p0 $0x1BF5;
	p2 =	por !p2, p0  }
0x20: {  	[sflag:s8] =	ssyncset.s32 @!p0 $0xFFFFF086;
	s6 =	sadd.s32 @!p0 s3, s7;
	s7 =	simm.s32 @!p0 $0x108  }
0x21: {  	s3 =	sadd.s32 s3, s9;
	s6 =	sadd.s32 @!p0 $0x88, s6;
	s7 =	simm.s32 @p2 $0x1082  }
0x22: {  	[simem:s7], [sflag:s8] =	dma.local @!p0 [hbm:s6], $0xF7A  }
0x23: {  	s9 =	sor.u32 $0xD0000000, s2;
	s6 =	simm.s32 $0x108;
	_ =	swait.ge @!p0 [sflag:s8], $0x0  }
0x24: {  	s3 =	sadd.s32 $0x88, s3;
	s6 =	simm.s32 @!p1 $0x1082;
	[sflag:s4] =	ssyncset.s32 $0xFFFFF086  }
0x25: {  	[simem:s6], [sflag:s4] =	dma.local [hbm:s3], $0xF7A  }
0x26: {  	[smem:$0x3F97] =	sst s1;
	(tag) =	ssettag s2;
	_ =	strace s9  }
0x27: {  	s1 =	sld [smem:$0x3FA7]  }
0x28: {  	s2 =	sld [smem:$0x3FA8]  }
0x29: {  	s4 =	sld [smem:$0x3FAA]  }
0x2a: {  	p0 =	seq.s32 s5, $0x0;
	s5 =	sld [smem:$0x3FAB]  }
0x2b: {  	s6 =	sld [smem:$0x3FAC]  }
0x2c: {  	s7 =	sld [smem:$0x3FAD]  }
0x2d: {  	s3 =	simm.s32 $0x108;
	s8 =	sld [smem:$0x3FAE]  }
0x2e: {  	s3 =	simm.s32 @!p0 $0x1082;
	s9 =	sld [smem:$0x3FAF]  }
0x2f: {  	lr =	sadd.s32 s0, s3;
	s0 =	sld [smem:$0x3FA6]  }
0x30: {  	s3 =	sld [smem:$0x3FA9]  }
0x31: {  	[smem:$0x3FB2] =	sst s10  }
0x32: {  	s10 =	sld [smem:$0x3FB0];
	_ =	sdelay $0x3  }
0x33: {  	p0 =	seq.s32 s10, $0x1;
	s10 =	sld [smem:$0x3FB2];
	_ =	sdelay $0x3  }
0x34: {  	[smem:$0x3FB2] =	sst s10  }
0x35: {  	s10 =	sld [smem:$0x3FB1];
	_ =	sdelay $0x3  }
0x36: {  	p1 =	seq.s32 s10, $0x1;
	s10 =	sld [smem:$0x3FB2];
	_ =	sdelay $0x3  }
0x37: {  	[smem:$0x3FB2] =	sst s10  }
0x38: {  	s10 =	sld [smem:$0x3FB3]  }
0x39: {  	_ = 	snop;
	(pc) =	sbr.ind lr, $3  }
0x3a: {  	_ = 	snop  }
0x3b: {  	_ = 	snop  }
0x3c: {  	p2 =	seq.s32 s10, $0x1;
	s10 =	sld [smem:$0x3FB2]  }
0x3d: {  	_ =	shalt  }
0x3e: {  	_ =	shalt  }
0x3f: {  	_ =	shalt  }
0x40: {  	_ =	shalt  }
0x41: {  	_ =	shalt  }
0x42: {  	_ =	shalt  }
0x43: {  	_ =	shalt  }
0x44: {  	_ =	shalt  }
0x45: {  	_ =	shalt  }
0x46: {  	_ =	shalt  }
0x47: {  	_ =	shalt  }
0x48: {  	_ =	shalt  }
0x49: {  	_ =	shalt  }
0x4a: {  	_ =	shalt  }
0x4b: {  	_ =	shalt  }
0x4c: {  	_ =	shalt  }
0x4d: {  	_ =	shalt  }
0x4e: {  	_ =	shalt  }
0x4f: {  	_ =	shalt  }
0x50: {  	_ =	shalt  }
0x51: {  	_ =	shalt  }
0x52: {  	_ =	shalt  }
0x53: {  	_ =	shalt  }
0x54: {  	_ =	shalt  }
0x55: {  	_ =	shalt  }
0x56: {  	_ =	shalt  }
0x57: {  	_ =	shalt  }
0x58: {  	_ =	shalt  }
0x59: {  	_ =	shalt  }
0x5a: {  	_ =	shalt  }
0x5b: {  	_ =	shalt  }
0x5c: {  	_ =	shalt  }
0x5d: {  	_ =	shalt  }
0x5e: {  	_ =	shalt  }
0x5f: {  	_ =	shalt  }
0x60: {  	_ =	shalt  }
0x61: {  	_ =	shalt  }
0x62: {  	_ =	shalt  }
0x63: {  	_ =	shalt  }
0x64: {  	_ =	shalt  }
0x65: {  	_ =	shalt  }
0x66: {  	_ =	shalt  }
0x67: {  	_ =	shalt  }
0x68: {  	_ =	shalt  }
0x69: {  	_ =	shalt  }
0x6a: {  	_ =	shalt  }
0x6b: {  	_ =	shalt  }
0x6c: {  	_ =	shalt  }
0x6d: {  	_ =	shalt  }
0x6e: {  	_ =	shalt  }
0x6f: {  	_ =	shalt  }
0x70: {  	_ =	shalt  }
0x71: {  	_ =	shalt  }
0x72: {  	_ =	shalt  }
0x73: {  	_ =	shalt  }
0x74: {  	_ =	shalt  }
0x75: {  	_ =	shalt  }
0x76: {  	_ =	shalt  }
0x77: {  	_ =	shalt  }
0x78: {  	_ =	shalt  }
0x79: {  	_ =	shalt  }
0x7a: {  	_ =	shalt  }
0x7b: {  	_ =	shalt  }
0x7c: {  	_ =	shalt  }
0x7d: {  	_ =	shalt  }
0x7e: {  	_ =	shalt  }
0x7f: {  	_ =	shalt  }
0x80: {  	_ =	shalt  }
0x81: {  	_ =	shalt  }
0x82: {  	_ =	shalt  }
0x83: {  	_ =	shalt  }
0x84: {  	_ =	shalt  }
0x85: {  	_ =	shalt  }
0x86: {  	_ =	shalt  }
0x87: {  	_ =	shalt  }
.Lfunc_end0:
.L_simem_size_0:
called_computation_lowered:
.L_overlay_start_0:
0x88: {  	s2 =	sld [smem:$0x3FD9]  }
0x89: {  	s3 =	sld [smem:$0x3FFE];
	_ =	sdelay $0x1  }
0x8a: {  	s1 =	srdreg.scid  }
0x8b: {  	s0 =	sand.u32 $0x1, s1  }
0x8c: {  	s16 =	sshll.u32 s0, $0xA;
	s2 =	sadd.s32 s3, s2  }
0x8d: {  	s2 =	sadd.s32 s2, s16  }
0x8e: {  	[smem:$0x3FBE] =	sst s2  }
0x8f: {  	_ = 	snop  }
0x90: {  	(tm) =	ssettm $0x1  }
0x91: {  	s17 =	sld [smem:$0x3FFB];
	_ =	sdelay $0x3  }
0x92: {  	_ =	strace s17  }
0x93: {  	s2 =	sld [smem:$0x3FFC];
	_ =	sdelay $0x3  }
0x94: {  	_ =	strace s2  }
0x95: {  	s2 =	sld [smem:$0x3FFD];
	_ =	sdelay $0x3  }
0x96: {  	_ =	strace s2  }
0x97: {  	_ =	strace $0x8FFFFFFF  }
0x98: {  	s18 =	sld [smem:$0x3FDB];
	_ =	sdelay $0x1  }
0x99: {  	s19 =	simm.s32 $_scs_section_size  }
0x9a: {  	s4 =	simm.s32 $_size__tile_overlayer_lowered;
	s5 =	simm.s32 $_tile_overlayer_lowered  }
0x9b: {  	s22 =	simm.s32 $0x1BFF;
	s21 =	sshll.u32 s5, $0x1;
	s2 =	sadd.s32 s19, s18  }
0x9c: {  	s6 =	simm.s32 $0x0;
	s20 =	sshll.u32 s4, $0x1;
	s4 =	sadd.s32 s21, s2  }
0x9d: {  	[timem:s6], [sflag:s22] =	dma.local [hbm:s4], s20  }
0x9e: {  	_ =	swait.ge [sflag:s22], s20  }
0x9f: {  	s3 =	ssub.s32 $0x0, s20;
	[sflag:s22] =	ssyncset.done $0x0  }
0xa0: {  	[sflag:s22] =	ssyncadd.s32 s3;
	_ =	sdelay $0x1  }
0xa1: {  	s23 =	simm.s32 $0x1B8B  }
0xa2: {  	_ =	swait.ge [sflag:s23], $0x1  }
0xa3: {  	[sflag:s23] =	ssyncset.done $0x0  }
0xa4: {  	s25 =	simm.s32 $0x1B8E;
	s24 =	sld [smem:$0x3FFE];
	[sflag:s23] =	ssyncadd.s32 $0xFFFFFFFF  }
0xa5: {  	s26 =	simm.s32 $execute0_lowered;
	[smem:$0x3FD2] =	sst s25  }
0xa6: {  	s4 =	sshll.u32 s26, $0x1;
	_ =	strace $0x80000046;
	[dreg:$0x1] =	wrdreg $0xFFFFFFFF  }
0xa7: {  	s28 =	simm.s32 $_size_execute0_lowered;
	s2 =	sadd.s32 s2, s4;
	[dreg:$0x0] =	wrdreg $0x0  }
0xa8: {  	s4 =	sshll.u32 s28, $0x1;
	[dreg:$0x2] =	wrdreg s2  }
0xa9: {  	[dreg:$0x3] =	wrdreg s4  }
0xaa: {  	[dreg:$0x4] =	wrdreg $0xC0  }
0xab: {  	_ =	task [dreg:s6], $0x5FFFF  }
0xac: {  	[dreg:$0x1] =	wrdreg $0xFFFFFFFF  }
0xad: {  	[dreg:$0x0] =	wrdreg $0x60  }
0xae: {  	[dreg:$0x2] =	wrdreg s24  }
0xaf: {  	[dreg:$0x3] =	wrdreg $0x9  }
0xb0: {  	_ =	task.clear_ibuf [dreg:s6], $0x4FFFF;
	_ =	strace $0x90000046  }
0xb1: {  	s29 =	simm.s32 $0x9;
	_ =	strace $0x80000048  }
0xb2: {  	_ =	swait.ge [sflag:s29], $0x1  }
0xb3: {  	[sflag:s29] =	ssyncadd.s32 $0xFFFFFFFF  }
0xb4: {  	_ =	strace $0x90000048  }
0xb5: {  	_ =	sfence  }
0xb6: {  	s30 =	sld [smem:$0x0];
	_ =	sdelay $0x2  }
0xb7: {  	s31 =	sshll.u32 s1, $0xD;
	s1 =	sshrl.u32 s1, $0x2  }
0xb8: {  	s3 =	sand.u32 $0x4000, s31;
	s1 =	sadd.s32 s1, s30  }
0xb9: {  	s0 =	sor.u32 s3, s0;
	s1 =	sshll.u32 s1, $0x11  }
0xba: {  	s0 =	sor.u32 s1, s0  }
0xbb: {  	s0 =	sadd.s32 $0x8F2B, s0  }
0xbc: {  	[sflag:s0] =	ssyncadd.remote.s32 $0x1  }
0xbd: {  	_ =	sfence.sel $0xFFFF  }
0xbe: {  	[dreg:$0x0] =	wrdreg $0xFFFFFFFF;
	(pc) =	sbr.abs _section_cstart, $3  }
0xbf: {  	[dreg:$0x1] =	wrdreg $0xFFFFFFFF  }
0xc0: {  	_ =	task.clear_ibuf [dreg:s6], $0x2FFFF;
	_ =	strace $0x9FFFFFFF  }
0xc1: {  	(tm) =	ssettm $0x7FFFFFFF  }
tec
execute0_lowered:
.L_overlay_start_1:
0x0: {  	(tag) =	ssettag $0x1  }
0x1: {  	s5 =	rddreg [dreg:$0x0]  }
0x2: {  	s0 =	rddreg [dreg:$0x1]  }
0x3: {  	s2 =	simm.s32 $0x0;
	s4 =	srdreg.scid;
	s1 =	stileid.u32  }
0x4: {  	s13 =	simm.s32 $0x10000;
	s14 =	simm.s32 $0x14F00;
	s15 =	simm.s32 $0x12780  }
0x5: {  	s16 =	simm.s32 $0x17680;
	s17 =	simm.s32 $0x1;
	s18 =	simm.s32 $0x2  }
0x6: {  	s19 =	simm.s32 $0x80;
	s21 =	simm.s32 $0x3;
	s22 =	simm.s32 $0x0  }
0x7: {  	[smem:$0x7FF] =	sst s2;
	s3 =	sadd.s32 $0xA00, s5;
	s6 =	sand.u32 $0x1, s4  }
0x8: {  	s20 =	sshll.u32 s1, $0x10;
	s8 =	sshll.u32 s1, $0x7;
	_ =	strace $0x80000047  }
0x9: {  	s4 =	sshll.u32 s6, $0x14;
	s7 =	sand.u32 $0x80000, s20;
	s8 =	sand.u32 $0x380, s8  }
0xa: {  	s10 =	smul.u32 $0x7A120, s6;
	s6 =	ssub.s32 $0x2, s6;
	v0 =	vmov s20;
	s20 =	simm.s32 $0x400  }
0xb: {  	s7 =	sor.u32 s4, s7;
	s4 =	sadd.s32 $0x1F400, s5;
	s30 =	sshrl.u32 s6, $0x1  }
.Ltmp0:
0xc: {  	s7 =	sor.u32 s8, s7;
	s9 =	sshrl.u32 s10, $0x3;
	(pc) =	sbr.rel .LBB2_1-.Ltmp0, $4  }
0xd: {  	s12 =	ssub.s32 s6, s30;
	s7 =	sshrl.u32 s7, $0x3;
	s31 =	sadd.s32 $0x4E2, s9  }
0xe: {  	s6 =	sadd.s32 s4, s9;
	s12 =	smax.u32 s12, $0x1;
	s11 =	sadd.s32 s7, s5  }
0xf: {  	s5 =	sadd.s32 s3, s9;
	s7 =	sadd.s32 s3, s31;
	s8 =	sadd.s32 s4, s31  }
0x10: {  	v1 =	vimm.f32 $-3.000000010e+38;
	s9 =	sadd.s32 $0x4E20, s10;
	s10 =	sadd.s32 $0x7530, s10;
	s11 =	sadd.s32 $0x3DE00, s11  }
.LBB2_10:
0x11: {  	s22 =	sadd.s32 $0x1, s22  }
0x12: {  	p0 =	sne.s32 s22, s12  }
.Ltmp1:
0x13: {  	_ = 	snop;
	(pc) =	sbr.rel @!p0 .LBB2_11-.Ltmp1, $4  }
0x14: {  	[hbm4b:s11+s19] =	stream.strided.scatter [tilespmem:s2], [sflag:$0x3], $0x10000, s20, s19, $0x38;
	[tilespmem:$0x19E00] =	vst v63  }
0x15: {  	_ =	swait.ge [sflag:s21], $0x10000  }
0x16: {  	[sflag:s21] =	ssyncset.done $0x0  }
0x17: {  	[sflag:s21] =	ssyncadd.s32 $0xFFFF0000  }
.LBB2_1:
0x18: {  	s23 =	simm.s32 $0x40  }
0x19: {  	[tilespmem:s23+$0xFFFFFFC0] =	vst v1  }
0x1a: {  	[tilespmem:s23+$0x30] =	vst v1  }
0x1b: {  	[tilespmem:s23+$0x20] =	vst v1  }
0x1c: {  	[tilespmem:s23+$0x10] =	vst v1  }
0x1d: {  	[tilespmem:s23+$0x0] =	vst v1  }
0x1e: {  	[tilespmem:s23+$0xFFFFFFF0] =	vst v1  }
0x1f: {  	s24 =	simm.s32 $0x0;
	[tilespmem:s23+$0xFFFFFFE0] =	vst v1  }
.LBB2_2:
0x20: {  	s24 =	sadd.s32 $0x8, s24;
	[tilespmem:s23+$0xFFFFFFD0] =	vst v1;
	s23 =	sadd.s32 $0x80, s23  }
0x21: {  	[tilespmem:s23+$0xFFFFFFC0] =	vst v1;
	p0 =	slt.u32 s24, $0xFF8  }
0x22: {  	[tilespmem:s23+$0x30] =	vst v1  }
.Ltmp2:
0x23: {  	[tilespmem:s23+$0x20] =	vst v1;
	(pc) =	sbr.rel @p0 .LBB2_2-.Ltmp2, $4  }
0x24: {  	[tilespmem:s23+$0x10] =	vst v1  }
0x25: {  	[tilespmem:s23+$0x0] =	vst v1  }
0x26: {  	[tilespmem:s23+$0xFFFFFFF0] =	vst v1  }
0x27: {  	[tilespmem:s23+$0xFFFFFFE0] =	vst v1  }
0x28: {  	[tilespmem:s23+$0xFFFFFFD0] =	vst v1;
	s23 =	simm.s32 $0x0  }
0x29: {  	[tilespmem:s13], [sflag:$0x1] =	stream.linear.gather [hbm4b:s5+s23], $0x2710, $0x38;
	[tilespmem:$0x19E00] =	vst v63  }
0x2a: {  	_ = 	snop  }
0x2b: {  	[tilespmem:s14], [sflag:$0x1] =	stream.linear.gather [hbm4b:s6+s23], $0x2710, $0x38;
	[tilespmem:$0x19E00] =	vst v63  }
0x2c: {  	_ = 	snop  }
0x2d: {  	[tilespmem:s15], [sflag:$0x2] =	stream.linear.gather [hbm4b:s7+s23], $0x2710, $0x38;
	[tilespmem:$0x19E00] =	vst v63  }
0x2e: {  	_ = 	snop  }
0x2f: {  	[tilespmem:s16], [sflag:$0x2] =	stream.linear.gather [hbm4b:s8+s23], $0x2710, $0x38;
	[tilespmem:$0x19E00] =	vst v63  }
.LBB2_4:
0x30: {  	_ =	swait.ge [sflag:s17], $0x2710  }
0x31: {  	[sflag:s17] =	ssyncset.done $0x0  }
0x32: {  	[sflag:s17] =	ssyncadd.s32 $0xFFFFD8F0  }
0x33: {  	_ =	swait.ge [sflag:s17], $0x2710  }
0x34: {  	s24 =	simm.s32 $0xFFFFFFFE;
	[sflag:s17] =	ssyncset.done $0x0  }
0x35: {  	s25 =	simm.s32 $0x14F50;
	s26 =	simm.s32 $0x10050;
	[sflag:s17] =	ssyncadd.s32 $0xFFFFD8F0  }
.LBB2_5:
0x36: {  	v2 =	vld [tilespmem:s26+$0xFFFFFFB0]  }
0x37: {  	v3 =	vld [tilespmem:s26+$0xFFFFFFC0]  }
0x38: {  	v4 =	vld [tilespmem:s26+$0xFFFFFFD0]  }
0x39: {  	v5 =	vld [tilespmem:s26+$0xFFFFFFE0]  }
0x3a: {  	v6 =	vld [tilespmem:s26+$0xFFFFFFF0]  }
0x3b: {  	v7 =	vsub.s32 v2, v0  }
0x3c: {  	v8 =	vsub.s32 v3, v0;
	vm0 =	vlt.u32 v7, $0x10000  }
0x3d: {  	v9 =	vsub.s32 v4, v0;
	vm11 =	vlt.u32 v8, $0x10000;
	(xrf1) =	vunique.msk.u32 vm0, v7  }
0x3e: {  	v10 =	vsub.s32 v5, v0;
	vm12 =	vlt.u32 v9, $0x10000;
	(xrf1) =	vunique.msk.u32 vm11, v8  }
0x3f: {  	v11 =	vsub.s32 v6, v0;
	vm13 =	vlt.u32 v10, $0x10000;
	(xrf1) =	vunique.msk.u32 vm12, v9  }
0x40: {  	vm14 =	vlt.u32 v11, $0x10000;
	(xrf1) =	vunique.msk.u32 vm13, v10  }
0x41: {  	(xrf1) =	vunique.msk.u32 vm14, v11;
	_ =	sdelay $0x9  }
0x42: {  	v2 =	vand.u32 $0x7F, v2;
	v7 =	vand.u32 $0xFFFFFF80, v7;
	_, v12, vm15 =	vpop (xrf1)  }
0x43: {  	v3 =	vand.u32 $0x7F, v3;
	v41 =	vand.u32 $0xFFFFFF80, v8;
	v2 =	vor.u32 v2, v7;
	v12 =	vld [tilespmem:s25+$0xFFFFFFB0];
	_, v13, vm1 =	vpop (xrf1)  }
0x44: {  	v42 =	vld [tilespmem:s25+$0xFFFFFFC0];
	v4 =	vand.u32 $0x7F, v4;
	v43 =	vand.u32 $0xFFFFFF80, v9;
	v3 =	vor.u32 v3, v41;
	_, v13, vm2 =	vpop (xrf1)  }
0x45: {  	v44 =	vld [tilespmem:s25+$0xFFFFFFD0];
	v5 =	vand.u32 $0x7F, v5;
	v45 =	vand.u32 $0xFFFFFF80, v10;
	v4 =	vor.u32 v4, v43;
	_, v13, vm3 =	vpop (xrf1)  }
0x46: {  	v46 =	vld [tilespmem:s25+$0xFFFFFFE0];
	v6 =	vand.u32 $0x7F, v6;
	v47 =	vand.u32 $0xFFFFFF80, v11;
	v5 =	vor.u32 v5, v45;
	_, v13, vm4 =	vpop (xrf1)  }
0x47: {  	v48 =	vld [tilespmem:s25+$0xFFFFFFF0];
	v6 =	vor.u32 v6, v47  }
0x48: {  	[tilespmem:v2+s2+$0x0] =	vst.idx.msk vm15, v12  }
0x49: {  	[tilespmem:v3+s2+$0x0] =	vst.idx.msk vm1, v42  }
0x4a: {  	[tilespmem:v4+s2+$0x0] =	vst.idx.msk vm2, v44  }
0x4b: {  	[tilespmem:v5+s2+$0x0] =	vst.idx.msk vm3, v46  }
0x4c: {  	[tilespmem:v6+s2+$0x0] =	vst.idx.msk vm4, v48  }
0x4d: {  	v2 =	vld [tilespmem:s26+$0x0]  }
0x4e: {  	v3 =	vld [tilespmem:s26+$0x10]  }
0x4f: {  	v4 =	vld [tilespmem:s26+$0x20]  }
0x50: {  	v5 =	vld [tilespmem:s26+$0x30]  }
0x51: {  	v6 =	vld [tilespmem:s26+$0x40]  }
0x52: {  	v49 =	vsub.s32 v2, v0  }
0x53: {  	v50 =	vsub.s32 v3, v0;
	vm6 =	vlt.u32 v49, $0x10000  }
0x54: {  	v51 =	vsub.s32 v4, v0;
	vm7 =	vlt.u32 v50, $0x10000;
	(xrf1) =	vunique.msk.u32 vm6, v49  }
0x55: {  	v52 =	vsub.s32 v5, v0;
	vm8 =	vlt.u32 v51, $0x10000;
	(xrf1) =	vunique.msk.u32 vm7, v50  }
0x56: {  	v53 =	vsub.s32 v6, v0;
	vm9 =	vlt.u32 v52, $0x10000;
	(xrf1) =	vunique.msk.u32 vm8, v51  }
0x57: {  	vm10 =	vlt.u32 v53, $0x10000;
	(xrf1) =	vunique.msk.u32 vm9, v52  }
0x58: {  	(xrf1) =	vunique.msk.u32 vm10, v53;
	_ =	sdelay $0x9  }
0x59: {  	v2 =	vand.u32 $0x7F, v2;
	v7 =	vand.u32 $0xFFFFFF80, v49;
	_, v54, vm11 =	vpop (xrf1)  }
0x5a: {  	v12 =	vld [tilespmem:s25+$0x0];
	v3 =	vand.u32 $0x7F, v3;
	v56 =	vand.u32 $0xFFFFFF80, v50;
	v2 =	vor.u32 v2, v7;
	_, v55, vm12 =	vpop (xrf1)  }
0x5b: {  	v8 =	vld [tilespmem:s25+$0x10];
	v4 =	vand.u32 $0x7F, v4;
	v58 =	vand.u32 $0xFFFFFF80, v51;
	v3 =	vor.u32 v3, v56;
	_, v57, vm13 =	vpop (xrf1)  }
0x5c: {  	v9 =	vld [tilespmem:s25+$0x20];
	v5 =	vand.u32 $0x7F, v5;
	v60 =	vand.u32 $0xFFFFFF80, v52;
	v4 =	vor.u32 v4, v58;
	_, v59, vm14 =	vpop (xrf1)  }
0x5d: {  	s24 =	sadd.s32 $0x2, s24;
	v61 =	vld [tilespmem:s25+$0x30];
	v6 =	vand.u32 $0x7F, v6;
	v62 =	vand.u32 $0xFFFFFF80, v53;
	v5 =	vor.u32 v5, v60;
	_, v13, vm15 =	vpop (xrf1)  }
0x5e: {  	p0 =	slt.u32 s24, $0x7A;
	v63 =	vld [tilespmem:s25+$0x40];
	v6 =	vor.u32 v6, v62  }
.Ltmp3:
0x5f: {  	[tilespmem:v2+s2+$0x0] =	vst.idx.msk vm11, v12;
	(pc) =	sbr.rel @p0 .LBB2_5-.Ltmp3, $4  }
0x60: {  	[tilespmem:v3+s2+$0x0] =	vst.idx.msk vm12, v8  }
0x61: {  	[tilespmem:v4+s2+$0x0] =	vst.idx.msk vm13, v9  }
0x62: {  	[tilespmem:v5+s2+$0x0] =	vst.idx.msk vm14, v61  }
0x63: {  	s25 =	sadd.s32 $0xA0, s25;
	s26 =	sadd.s32 $0xA0, s26;
	[tilespmem:v6+s2+$0x0] =	vst.idx.msk vm15, v63  }
0x64: {  	v2 =	vld [tilespmem:$0x126C0]  }
0x65: {  	v3 =	vld [tilespmem:$0x126D0];
	_ =	sdelay $0x1  }
0x66: {  	v4 =	vld [tilespmem:$0x126E0]  }
0x67: {  	v5 =	vld [tilespmem:$0x126F0]  }
0x68: {  	v6 =	vld [tilespmem:$0x12700];
	v7 =	vsub.s32 v2, v0  }
0x69: {  	v8 =	vsub.s32 v3, v0;
	vm0 =	vlt.u32 v7, $0x10000  }
0x6a: {  	vm11 =	vlt.u32 v8, $0x10000;
	(xrf1) =	vunique.msk.u32 vm0, v7  }
0x6b: {  	v9 =	vsub.s32 v4, v0;
	(xrf1) =	vunique.msk.u32 vm11, v8  }
0x6c: {  	v10 =	vsub.s32 v5, v0;
	vm12 =	vlt.u32 v9, $0x10000  }
0x6d: {  	v11 =	vsub.s32 v6, v0;
	vm13 =	vlt.u32 v10, $0x10000;
	(xrf1) =	vunique.msk.u32 vm12, v9  }
0x6e: {  	vm14 =	vlt.u32 v11, $0x10000;
	(xrf1) =	vunique.msk.u32 vm13, v10  }
0x6f: {  	(xrf1) =	vunique.msk.u32 vm14, v11;
	_ =	sdelay $0x8  }
0x70: {  	_, v12, vm15 =	vpop (xrf1)  }
0x71: {  	v2 =	vand.u32 $0x7F, v2;
	v7 =	vand.u32 $0xFFFFFF80, v7;
	_, v12, vm1 =	vpop (xrf1)  }
0x72: {  	v3 =	vand.u32 $0x7F, v3;
	v56 =	vand.u32 $0xFFFFFF80, v8;
	v2 =	vor.u32 v2, v7;
	v12 =	vld [tilespmem:$0x175C0]  }
0x73: {  	v4 =	vand.u32 $0x7F, v4;
	v58 =	vand.u32 $0xFFFFFF80, v9;
	v3 =	vor.u32 v3, v56;
	v8 =	vld [tilespmem:$0x175D0];
	_, v57, vm2 =	vpop (xrf1)  }
0x74: {  	v5 =	vand.u32 $0x7F, v5;
	v60 =	vand.u32 $0xFFFFFF80, v10;
	v4 =	vor.u32 v4, v58;
	v9 =	vld [tilespmem:$0x175E0];
	_, v59, vm3 =	vpop (xrf1)  }
0x75: {  	v61 =	vld [tilespmem:$0x175F0];
	v6 =	vand.u32 $0x7F, v6;
	v62 =	vand.u32 $0xFFFFFF80, v11;
	v5 =	vor.u32 v5, v60;
	_, v13, vm4 =	vpop (xrf1)  }
0x76: {  	v63 =	vld [tilespmem:$0x17600];
	p0 =	seq.s32 s23, $0x18;
	v6 =	vor.u32 v6, v62  }
0x77: {  	s24 =	smul.u32 @!p0 $0x4E20, s23;
	[tilespmem:v2+s2+$0x0] =	vst.idx.msk vm15, v12  }
0x78: {  	[tilespmem:v3+s2+$0x0] =	vst.idx.msk vm1, v8  }
0x79: {  	s24 =	sadd.s32 @!p0 s24, s9;
	[tilespmem:v4+s2+$0x0] =	vst.idx.msk vm2, v9  }
0x7a: {  	s24 =	sshrl.u32 @!p0 s24, $0x3;
	[tilespmem:v5+s2+$0x0] =	vst.idx.msk vm3, v61  }
0x7b: {  	s26 =	simm.s32 @!p0 $0x0;
	s28 =	simm.s32 @!p0 $0x10000;
	s25 =	sadd.s32 @!p0 s3, s24;
	[tilespmem:v6+s2+$0x0] =	vst.idx.msk vm4, v63  }
0x7c: {  	[tilespmem:s28], [sflag:$0x1] =	stream.linear.gather @!p0 [hbm4b:s25+s26], $0x2710, $0x38;
	[tilespmem:$0x19E00] =	vst v63  }
0x7d: {  	s24 =	sadd.s32 @!p0 s4, s24;
	s25 =	simm.s32 @!p0 $0x14F00  }
0x7e: {  	[tilespmem:s25], [sflag:$0x1] =	stream.linear.gather @!p0 [hbm4b:s24+s26], $0x2710, $0x38;
	[tilespmem:$0x19E00] =	vst v63  }
0x7f: {  	_ =	swait.ge [sflag:s18], $0x2710  }
0x80: {  	[sflag:s18] =	ssyncset.done $0x0  }
0x81: {  	[sflag:s18] =	ssyncadd.s32 $0xFFFFD8F0  }
0x82: {  	_ =	swait.ge [sflag:s18], $0x2710  }
0x83: {  	s24 =	simm.s32 $0xFFFFFFFE;
	[sflag:s18] =	ssyncset.done $0x0  }
0x84: {  	s25 =	simm.s32 $0x176D0;
	s26 =	simm.s32 $0x127D0;
	[sflag:s18] =	ssyncadd.s32 $0xFFFFD8F0  }
.LBB2_7:
0x85: {  	v2 =	vld [tilespmem:s26+$0xFFFFFFB0]  }
0x86: {  	v3 =	vld [tilespmem:s26+$0xFFFFFFC0]  }
0x87: {  	v4 =	vld [tilespmem:s26+$0xFFFFFFD0]  }
0x88: {  	v5 =	vld [tilespmem:s26+$0xFFFFFFE0]  }
0x89: {  	v6 =	vld [tilespmem:s26+$0xFFFFFFF0]  }
0x8a: {  	v7 =	vsub.s32 v2, v0  }
0x8b: {  	v8 =	vsub.s32 v3, v0;
	vm0 =	vlt.u32 v7, $0x10000  }
0x8c: {  	v9 =	vsub.s32 v4, v0;
	vm11 =	vlt.u32 v8, $0x10000;
	(xrf1) =	vunique.msk.u32 vm0, v7  }
0x8d: {  	v10 =	vsub.s32 v5, v0;
	vm12 =	vlt.u32 v9, $0x10000;
	(xrf1) =	vunique.msk.u32 vm11, v8  }
0x8e: {  	v11 =	vsub.s32 v6, v0;
	vm13 =	vlt.u32 v10, $0x10000;
	(xrf1) =	vunique.msk.u32 vm12, v9  }
0x8f: {  	vm14 =	vlt.u32 v11, $0x10000;
	(xrf1) =	vunique.msk.u32 vm13, v10  }
0x90: {  	(xrf1) =	vunique.msk.u32 vm14, v11;
	_ =	sdelay $0x9  }
0x91: {  	v2 =	vand.u32 $0x7F, v2;
	v7 =	vand.u32 $0xFFFFFF80, v7;
	_, v12, vm15 =	vpop (xrf1)  }
0x92: {  	v3 =	vand.u32 $0x7F, v3;
	v41 =	vand.u32 $0xFFFFFF80, v8;
	v2 =	vor.u32 v2, v7;
	v12 =	vld [tilespmem:s25+$0xFFFFFFB0];
	_, v13, vm1 =	vpop (xrf1)  }
0x93: {  	v42 =	vld [tilespmem:s25+$0xFFFFFFC0];
	v4 =	vand.u32 $0x7F, v4;
	v43 =	vand.u32 $0xFFFFFF80, v9;
	v3 =	vor.u32 v3, v41;
	_, v13, vm2 =	vpop (xrf1)  }
0x94: {  	v44 =	vld [tilespmem:s25+$0xFFFFFFD0];
	v5 =	vand.u32 $0x7F, v5;
	v45 =	vand.u32 $0xFFFFFF80, v10;
	v4 =	vor.u32 v4, v43;
	_, v13, vm3 =	vpop (xrf1)  }
0x95: {  	v46 =	vld [tilespmem:s25+$0xFFFFFFE0];
	v6 =	vand.u32 $0x7F, v6;
	v47 =	vand.u32 $0xFFFFFF80, v11;
	v5 =	vor.u32 v5, v45;
	_, v13, vm4 =	vpop (xrf1)  }
0x96: {  	v48 =	vld [tilespmem:s25+$0xFFFFFFF0];
	v6 =	vor.u32 v6, v47  }
0x97: {  	[tilespmem:v2+s2+$0x0] =	vst.idx.msk vm15, v12  }
0x98: {  	[tilespmem:v3+s2+$0x0] =	vst.idx.msk vm1, v42  }
0x99: {  	[tilespmem:v4+s2+$0x0] =	vst.idx.msk vm2, v44  }
0x9a: {  	[tilespmem:v5+s2+$0x0] =	vst.idx.msk vm3, v46  }
0x9b: {  	[tilespmem:v6+s2+$0x0] =	vst.idx.msk vm4, v48  }
0x9c: {  	v2 =	vld [tilespmem:s26+$0x0]  }
0x9d: {  	v3 =	vld [tilespmem:s26+$0x10]  }
0x9e: {  	v4 =	vld [tilespmem:s26+$0x20]  }
0x9f: {  	v5 =	vld [tilespmem:s26+$0x30]  }
0xa0: {  	v6 =	vld [tilespmem:s26+$0x40]  }
0xa1: {  	v49 =	vsub.s32 v2, v0  }
0xa2: {  	v50 =	vsub.s32 v3, v0;
	vm6 =	vlt.u32 v49, $0x10000  }
0xa3: {  	v51 =	vsub.s32 v4, v0;
	vm7 =	vlt.u32 v50, $0x10000;
	(xrf1) =	vunique.msk.u32 vm6, v49  }
0xa4: {  	v52 =	vsub.s32 v5, v0;
	vm8 =	vlt.u32 v51, $0x10000;
	(xrf1) =	vunique.msk.u32 vm7, v50  }
0xa5: {  	v53 =	vsub.s32 v6, v0;
	vm9 =	vlt.u32 v52, $0x10000;
	(xrf1) =	vunique.msk.u32 vm8, v51  }
0xa6: {  	vm10 =	vlt.u32 v53, $0x10000;
	(xrf1) =	vunique.msk.u32 vm9, v52  }
0xa7: {  	(xrf1) =	vunique.msk.u32 vm10, v53;
	_ =	sdelay $0x9  }
0xa8: {  	v2 =	vand.u32 $0x7F, v2;
	v7 =	vand.u32 $0xFFFFFF80, v49;
	_, v54, vm11 =	vpop (xrf1)  }
0xa9: {  	v12 =	vld [tilespmem:s25+$0x0];
	v3 =	vand.u32 $0x7F, v3;
	v56 =	vand.u32 $0xFFFFFF80, v50;
	v2 =	vor.u32 v2, v7;
	_, v55, vm12 =	vpop (xrf1)  }
0xaa: {  	v8 =	vld [tilespmem:s25+$0x10];
	v4 =	vand.u32 $0x7F, v4;
	v58 =	vand.u32 $0xFFFFFF80, v51;
	v3 =	vor.u32 v3, v56;
	_, v57, vm13 =	vpop (xrf1)  }
0xab: {  	v9 =	vld [tilespmem:s25+$0x20];
	v5 =	vand.u32 $0x7F, v5;
	v60 =	vand.u32 $0xFFFFFF80, v52;
	v4 =	vor.u32 v4, v58;
	_, v59, vm14 =	vpop (xrf1)  }
0xac: {  	s24 =	sadd.s32 $0x2, s24;
	v61 =	vld [tilespmem:s25+$0x30];
	v6 =	vand.u32 $0x7F, v6;
	v62 =	vand.u32 $0xFFFFFF80, v53;
	v5 =	vor.u32 v5, v60;
	_, v13, vm15 =	vpop (xrf1)  }
0xad: {  	p1 =	slt.u32 s24, $0x7A;
	v63 =	vld [tilespmem:s25+$0x40];
	v6 =	vor.u32 v6, v62  }
.Ltmp4:
0xae: {  	[tilespmem:v2+s2+$0x0] =	vst.idx.msk vm11, v12;
	(pc) =	sbr.rel @p1 .LBB2_7-.Ltmp4, $4  }
0xaf: {  	[tilespmem:v3+s2+$0x0] =	vst.idx.msk vm12, v8  }
0xb0: {  	[tilespmem:v4+s2+$0x0] =	vst.idx.msk vm13, v9  }
0xb1: {  	[tilespmem:v5+s2+$0x0] =	vst.idx.msk vm14, v61  }
0xb2: {  	s25 =	sadd.s32 $0xA0, s25;
	s26 =	sadd.s32 $0xA0, s26;
	[tilespmem:v6+s2+$0x0] =	vst.idx.msk vm15, v63  }
0xb3: {  	v2 =	vld [tilespmem:$0x14E40]  }
0xb4: {  	v3 =	vld [tilespmem:$0x14E50];
	_ =	sdelay $0x1  }
0xb5: {  	v4 =	vld [tilespmem:$0x14E60]  }
0xb6: {  	v5 =	vld [tilespmem:$0x14E70]  }
0xb7: {  	v6 =	vld [tilespmem:$0x14E80];
	v7 =	vsub.s32 v2, v0  }
0xb8: {  	v8 =	vsub.s32 v3, v0;
	vm0 =	vlt.u32 v7, $0x10000  }
0xb9: {  	vm11 =	vlt.u32 v8, $0x10000;
	(xrf1) =	vunique.msk.u32 vm0, v7  }
0xba: {  	v9 =	vsub.s32 v4, v0;
	(xrf1) =	vunique.msk.u32 vm11, v8  }
0xbb: {  	v10 =	vsub.s32 v5, v0;
	vm12 =	vlt.u32 v9, $0x10000  }
0xbc: {  	v11 =	vsub.s32 v6, v0;
	vm13 =	vlt.u32 v10, $0x10000;
	(xrf1) =	vunique.msk.u32 vm12, v9  }
0xbd: {  	vm14 =	vlt.u32 v11, $0x10000;
	(xrf1) =	vunique.msk.u32 vm13, v10  }
0xbe: {  	(xrf1) =	vunique.msk.u32 vm14, v11;
	_ =	sdelay $0x8  }
0xbf: {  	_, v12, vm15 =	vpop (xrf1)  }
0xc0: {  	v2 =	vand.u32 $0x7F, v2;
	v7 =	vand.u32 $0xFFFFFF80, v7;
	_, v12, vm1 =	vpop (xrf1)  }
0xc1: {  	v3 =	vand.u32 $0x7F, v3;
	v56 =	vand.u32 $0xFFFFFF80, v8;
	v2 =	vor.u32 v2, v7;
	v12 =	vld [tilespmem:$0x19D40]  }
0xc2: {  	v4 =	vand.u32 $0x7F, v4;
	v58 =	vand.u32 $0xFFFFFF80, v9;
	v3 =	vor.u32 v3, v56;
	v8 =	vld [tilespmem:$0x19D50];
	_, v57, vm2 =	vpop (xrf1)  }
0xc3: {  	v5 =	vand.u32 $0x7F, v5;
	v60 =	vand.u32 $0xFFFFFF80, v10;
	v4 =	vor.u32 v4, v58;
	v9 =	vld [tilespmem:$0x19D60];
	_, v59, vm3 =	vpop (xrf1)  }
0xc4: {  	v61 =	vld [tilespmem:$0x19D70];
	v6 =	vand.u32 $0x7F, v6;
	v62 =	vand.u32 $0xFFFFFF80, v11;
	v5 =	vor.u32 v5, v60;
	_, v13, vm4 =	vpop (xrf1)  }
0xc5: {  	v63 =	vld [tilespmem:$0x19D80];
	v6 =	vor.u32 v6, v62  }
.Ltmp5:
0xc6: {  	[tilespmem:v2+s2+$0x0] =	vst.idx.msk vm15, v12;
	(pc) =	sbr.rel @p0 .LBB2_10-.Ltmp5, $4  }
0xc7: {  	[tilespmem:v3+s2+$0x0] =	vst.idx.msk vm1, v8  }
0xc8: {  	[tilespmem:v4+s2+$0x0] =	vst.idx.msk vm2, v9  }
0xc9: {  	[tilespmem:v5+s2+$0x0] =	vst.idx.msk vm3, v61  }
0xca: {  	[tilespmem:v6+s2+$0x0] =	vst.idx.msk vm4, v63  }
0xcb: {  	s24 =	smul.u32 $0x4E20, s23;
	_ =	sdelay $0x1  }
0xcc: {  	s24 =	sadd.s32 s24, s10  }
.Ltmp6:
0xcd: {  	s24 =	sshrl.u32 s24, $0x3;
	(pc) =	sbr.rel .LBB2_4-.Ltmp6, $4  }
0xce: {  	s25 =	sadd.s32 s3, s24  }
0xcf: {  	[tilespmem:s15], [sflag:$0x2] =	stream.linear.gather [hbm4b:s25+s2], $0x2710, $0x38;
	[tilespmem:$0x19E00] =	vst v63  }
0xd0: {  	s23 =	sadd.s32 $0x1, s23;
	s24 =	sadd.s32 s4, s24  }
0xd1: {  	[tilespmem:s16], [sflag:$0x2] =	stream.linear.gather [hbm4b:s24+s2], $0x2710, $0x38;
	[tilespmem:$0x19E00] =	vst v63  }
.LBB2_11:
0xd2: {  	_ =	sfence.sel $0x180000  }
0xd3: {  	[bflag:$0x0] =	sbarrier.arrive $0xFFFF  }
0xd4: {  	p0 =	sne.s32 s1, $0x0;
	_ =	strace $0x90000047  }
0xd5: {  	s0 =	sadd.s32 @!p0 $0x100000, s0;
	[bflag:$0x2] =	sbarrier.arrive $0xFFFF  }
0xd6: {  	[sflag:s0] =	ssyncadd.tile.s32 @!p0 $0x1;
	_ =	shalt  }
.Lfunc_end2:
_tile_overlayer_lowered:
.L_overlay_start_2:
0xd7: {  	(tag) =	ssettag $0x2  }
0xd8: {  	s0 =	rddreg [dreg:$0x0];
	s2 =	stileid.u32  }
0xd9: {  	s1 =	rddreg [dreg:$0x1];
	p0 =	sne.s32 s2, $0x0  }
0xda: {  	s3 =	rddreg [dreg:$0x2];
	[bflag:$0x3] =	sbarrier.arrive $0xFFFF;
	s2 =	simm.s32 @!p0 $0x1C03  }
0xdb: {  	[timem:s3], [sflag:s2] =	dma.local @!p0 [hbm:s0], s1  }
0xdc: {  	s0 =	simm.s32 @!p0 $0x3  }
0xdd: {  	_ =	swait.ge @!p0 [sflag:s0], s1  }
0xde: {  	s1 =	ssub.s32 @!p0 $0x0, s1;
	[sflag:s0] =	ssyncset.done @!p0 $0x0  }
0xdf: {  	[sflag:s0] =	ssyncadd.s32 @!p0 s1  }
0xe0: {  	[bflag:$0x3] =	sbarrier.arrive $0xFFFF  }
0xe1: {  	_ =	shalt  }

</sc_bundles>
